<compile_context>
chip_gen: v7x
topology: tpu7x:2x2x1
jax: 0.10.2.dev20260603
libtpu: 0.0.44.dev20260713+nightly
codegen_flags: <defaults>
</compile_context>

<pallas_src>
import functools

import jax
import jax.numpy as jnp
from jax import lax
from jax.experimental import pallas as pl
from jax.experimental.pallas import tpu as pltpu
from jax.experimental.pallas import tpu_sc as plsc

N = 10000
E = 320000
IN = 128
HD = 128
G = 64
F = 3

NC = 2
NS = 16
NW = NC * NS
EPT = E // NW
C = 128
NCHUNK = 80
EPTP = NCHUNK * C
NPAD = 10240
RPT = NPAD // NS

_mesh = plsc.VectorSubcoreMesh(core_axis_name="c", subcore_axis_name="s")



@functools.partial(
    pl.kernel,
    out_type=jax.ShapeDtypeStruct((NW * N,), jnp.float32),
    mesh=_mesh,
    scratch_types=[
        pltpu.VMEM((N,), jnp.float32),
        pltpu.VMEM((EPT,), jnp.int32),
    ],
    compiler_params=pltpu.CompilerParams(needs_layout_passes=False),
)
def _deg_kernel(dst_hbm, out_hbm, deg_v, idx_v):
    cid = lax.axis_index("c")
    sid = lax.axis_index("s")
    wid = cid * NS + sid

    zero16 = jnp.zeros((16,), jnp.float32)

    def zbody(i, carry):
        deg_v[pl.ds(i * 16, 16)] = zero16
        return carry

    lax.fori_loop(0, N // 16, zbody, 0)

    pltpu.sync_copy(dst_hbm.at[pl.ds(wid * EPT, EPT)], idx_v)

    ones16 = jnp.ones((16,), jnp.float32)

    def body(i, carry):
        idx16 = idx_v[pl.ds(i * 16, 16)]
        plsc.addupdate_scatter(deg_v, [idx16], ones16)
        return carry

    lax.fori_loop(0, EPT // 16, body, 0)
    pltpu.sync_copy(deg_v, out_hbm.at[pl.ds(wid * N, N)])


@functools.partial(
    pl.kernel,
    out_type=jax.ShapeDtypeStruct((NC, NPAD, HD), jnp.float32),
    mesh=_mesh,
    scratch_types=[
        pltpu.VMEM_SHARED((NPAD, HD), jnp.float32),
        pltpu.VMEM((C,), jnp.int32),
        pltpu.VMEM((C,), jnp.int32),
        pltpu.VMEM((C,), jnp.int32),
        pltpu.VMEM((C,), jnp.int32),
        pltpu.VMEM((C, HD), jnp.float32),
        pltpu.VMEM((C, HD), jnp.float32),
        pltpu.SemaphoreType.DMA,
        pltpu.SemaphoreType.DMA,
        pltpu.SemaphoreType.DMA,
    ],
)
def _edge_kernel(xs_hbm, src_hbm, dst_hbm, zeros_hbm, out_hbm,
                 acc_s, srcA, dstA, srcB, dstB, rows0_v, rows1_v,
                 semg0, semg1, semi):
    cid = lax.axis_index("c")
    sid = lax.axis_index("s")
    wid = cid * NS + sid

    row0 = sid * RPT
    pltpu.sync_copy(zeros_hbm.at[pl.ds(row0, RPT)], acc_s.at[pl.ds(row0, RPT)])
    plsc.subcore_barrier()

    ebase = wid * EPTP
    pltpu.sync_copy(src_hbm.at[pl.ds(ebase, C)], srcA)
    pltpu.sync_copy(dst_hbm.at[pl.ds(ebase, C)], dstA)
    g0 = pltpu.async_copy(xs_hbm.at[srcA], rows0_v, semg0)
    pltpu.sync_copy(src_hbm.at[pl.ds(ebase + C, C)], srcB)
    pltpu.sync_copy(dst_hbm.at[pl.ds(ebase + C, C)], dstB)
    g0.wait()

    def body(i, carry):
        j0 = 2 * i
        g1 = pltpu.async_copy(xs_hbm.at[srcB], rows1_v, semg1)
        pltpu.sync_copy(rows0_v, acc_s.at[dstA], add=True)
        b2 = ebase + (j0 + 2) * C
        i1 = pltpu.async_copy(src_hbm.at[pl.ds(b2, C)], srcA, semi)
        i2 = pltpu.async_copy(dst_hbm.at[pl.ds(b2, C)], dstA, semi)
        g1.wait()
        i1.wait()
        i2.wait()
        g2 = pltpu.async_copy(xs_hbm.at[srcA], rows0_v, semg0)
        pltpu.sync_copy(rows1_v, acc_s.at[dstB], add=True)
        b3 = ebase + (j0 + 3) * C
        i3 = pltpu.async_copy(src_hbm.at[pl.ds(b3, C)], srcB, semi)
        i4 = pltpu.async_copy(dst_hbm.at[pl.ds(b3, C)], dstB, semi)
        g2.wait()
        i3.wait()
        i4.wait()
        return carry

    lax.fori_loop(0, (NCHUNK - 2) // 2, body, 0)
    gl = pltpu.async_copy(xs_hbm.at[srcB], rows1_v, semg1)
    pltpu.sync_copy(rows0_v, acc_s.at[dstA], add=True)
    gl.wait()
    pltpu.sync_copy(rows1_v, acc_s.at[dstB], add=True)

    plsc.subcore_barrier()
    pltpu.sync_copy(acc_s.at[pl.ds(row0, RPT)], out_hbm.at[cid, pl.ds(row0, RPT)])



def _prep_body(degp_ref, x_ref, W1_ref, dinv_ref, xs_ref):
    ones = jnp.ones((NW, 1), jnp.float32)
    deg = lax.dot_general(degp_ref[...], ones, (((0,), (0,)), ((), ())))
    dinv = lax.rsqrt(deg + 1.0)
    xw = jnp.dot(x_ref[...], W1_ref[...], preferred_element_type=jnp.float32)
    dinv_ref[...] = dinv
    xs_ref[pl.ds(0, N)] = xw * dinv
    xs_ref[pl.ds(N, NPAD - N)] = jnp.zeros((NPAD - N, HD), jnp.float32)


_tc_prep = pl.pallas_call(
    _prep_body,
    out_shape=[
        jax.ShapeDtypeStruct((N, 1), jnp.float32),
        jax.ShapeDtypeStruct((NPAD, HD), jnp.float32),
    ],
)


def _layer_body(acc_ref, xs_ref, dinv_ref, b_ref, W_ref, out_ref):
    dinv = dinv_ref[...]
    acc = (acc_ref[0] + acc_ref[1])[:N]
    h = dinv * (acc + xs_ref[...][:N]) + b_ref[...]
    h = jnp.maximum(h, 0.0)
    out_ref[pl.ds(0, N)] = jnp.dot(h, W_ref[...],
                                   preferred_element_type=jnp.float32) * dinv
    out_ref[pl.ds(N, NPAD - N)] = jnp.zeros((NPAD - N, HD), jnp.float32)


_tc_layer = pl.pallas_call(
    _layer_body,
    out_shape=jax.ShapeDtypeStruct((NPAD, HD), jnp.float32),
)


def _final_body(acc_ref, xs_ref, dinv_ref, b_ref, batch_ref, gW_ref, gb_ref,
                Wr_ref, br_ref, out_ref):
    dinv = dinv_ref[...]
    acc = (acc_ref[0] + acc_ref[1])[:N]
    h = dinv * (acc + xs_ref[...][:N]) + b_ref[...]
    gate = jnp.dot(h, gW_ref[...], preferred_element_type=jnp.float32)
    gate = gate + gb_ref[...]

    gid = lax.broadcasted_iota(jnp.int32, (N, G), 1)
    M = batch_ref[...] == gid
    Mf = M.astype(jnp.float32)
    neg = jnp.float32(-1e30)
    gmax = jnp.max(jnp.where(M, gate, neg), axis=0, keepdims=True)
    gmax_n = jnp.sum(Mf * gmax, axis=1, keepdims=True)
    gexp = jnp.exp(gate - gmax_n)
    gsum = jnp.sum(Mf * gexp, axis=0, keepdims=True)
    gsum_n = jnp.sum(Mf * gsum, axis=1, keepdims=True)
    alpha = gexp / gsum_n
    pooled = lax.dot_general(Mf, alpha * h, (((0,), (0,)), ((), ())))
    out_ref[...] = jnp.tanh(
        jnp.dot(pooled, Wr_ref[...], preferred_element_type=jnp.float32)
        + br_ref[...])


_tc_final = pl.pallas_call(
    _final_body,
    out_shape=jax.ShapeDtypeStruct((G, F), jnp.float32),
)



def kernel(x, edge_index, batch, W1, b1, W2, b2, W3, b3,
           gate_W, gate_b, Wr, br):
    src = edge_index[0]
    dst = edge_index[1]
    zeros = jnp.zeros((NPAD, HD), jnp.float32)

    pad_row = (jnp.arange(EPTP - EPT, dtype=jnp.int32) % (NPAD - N)) + N
    pad = jnp.broadcast_to(pad_row, (NW, EPTP - EPT))
    src_p = jnp.concatenate([src.reshape(NW, EPT), pad], 1).reshape(NW * EPTP)
    dst_p = jnp.concatenate([dst.reshape(NW, EPT), pad], 1).reshape(NW * EPTP)

    degp = _deg_kernel(dst).reshape(NW, N)
    dinv, xs1 = _tc_prep(degp, x, W1)
    acc1 = _edge_kernel(xs1, src_p, dst_p, zeros)
    xs2 = _tc_layer(acc1, xs1, dinv, b1.reshape(1, HD), W2)
    acc2 = _edge_kernel(xs2, src_p, dst_p, zeros)
    xs3 = _tc_layer(acc2, xs2, dinv, b2.reshape(1, HD), W3)
    acc3 = _edge_kernel(xs3, src_p, dst_p, zeros)
    out = _tc_final(acc3, xs3, dinv, b3.reshape(1, HD),
                    batch.reshape(N, 1), gate_W, gate_b.reshape(1, 1),
                    Wr, br.reshape(1, F))
    return out

# --- scband reference (transcript-rebuilt; emitter-appended) ---
"""Pipeline reference for scband-gnn-1314259992583 (READ-ONLY COPY).

The authoritative reference and input builder live on the scoring server;
editing this copy changes nothing except your own understanding.
"""

import jax, jax.numpy as jnp
import numpy as np

N = 10000
E = 320000
IN = 128
H = 128
OUT = 128
F = 3
G = 64


def setup_inputs(seed: int = 0) -> dict:
    key = jax.random.key(seed)
    ks = jax.random.split(key, 16)
    x = jax.random.normal(ks[0], (N, IN), dtype=jnp.float32)
    edge_index = jax.random.randint(ks[1], (2, E), 0, N, dtype=jnp.int32)
    batch = jnp.sort(jax.random.randint(ks[2], (N,), 0, G, dtype=jnp.int32))
    def lin(k, fi, fo):
        return jax.random.normal(k, (fi, fo), dtype=jnp.float32) / np.sqrt(fi)
    W1 = lin(ks[3], IN, H); b1 = jnp.zeros((H,), jnp.float32)
    W2 = lin(ks[4], H, H); b2 = jnp.zeros((H,), jnp.float32)
    W3 = lin(ks[5], H, OUT); b3 = jnp.zeros((OUT,), jnp.float32)
    gate_W = lin(ks[6], OUT, 1); gate_b = jnp.zeros((1,), jnp.float32)
    Wr = lin(ks[7], OUT, F); br = jnp.zeros((F,), jnp.float32)
    return {"x": x, "edge_index": edge_index, "batch": batch,
            "W1": W1, "b1": b1, "W2": W2, "b2": b2, "W3": W3, "b3": b3,
            "gate_W": gate_W, "gate_b": gate_b, "Wr": Wr, "br": br}


def _gcn_conv(x, src, dst, norm, W, b):
    xw = x @ W
    msg = xw[src] * norm[:, None]
    out = jax.ops.segment_sum(msg, dst, num_segments=N)
    return out + b


def reference(x, edge_index, batch, W1, b1, W2, b2, W3, b3, gate_W, gate_b, Wr, br):
    # GCN with self-loops and symmetric normalization (PyG GCNConv semantics)
    loop = jnp.arange(N, dtype=edge_index.dtype)
    src = jnp.concatenate([edge_index[0], loop])
    dst = jnp.concatenate([edge_index[1], loop])
    deg = jax.ops.segment_sum(jnp.ones(src.shape[0], jnp.float32), dst, num_segments=N)
    dinv = jnp.where(deg > 0, 1.0 / jnp.sqrt(deg), 0.0)
    norm = dinv[src] * dinv[dst]

    h = _gcn_conv(x, src, dst, norm, W1, b1)
    h = jax.nn.relu(h)
    h = _gcn_conv(h, src, dst, norm, W2, b2)
    h = jax.nn.relu(h)
    h = _gcn_conv(h, src, dst, norm, W3, b3)

    # AttentionalAggregation: softmax(gate_nn(h)) per graph, weighted sum
    gate = h @ gate_W + gate_b  # [N, 1]
    gmax = jax.ops.segment_max(gate, batch, num_segments=G)
    gexp = jnp.exp(gate - gmax[batch])
    gsum = jax.ops.segment_sum(gexp, batch, num_segments=G)
    alpha = gexp / gsum[batch]
    pooled = jax.ops.segment_sum(alpha * h, batch, num_segments=G)  # [G, OUT]

    # dropout is identity at inference (rate 0.0)
    out = jnp.tanh(pooled @ Wr + br)  # cartesian feats -> tanh
    return out

if __name__ == "__main__":
    import jax
    _d = setup_inputs()
    print(jax.jit(kernel)(*tuple(_d.values())))

</pallas_src>

<mosaic_0001>
#map = affine_map<(d0, d1) -> (0)>
module attributes {stable_mosaic.version = 14 : i64} {
  func.func @_deg_kernel(%arg0: i32, %arg1: i32, %arg2: memref<320000xi32, #tpu.memory_space<hbm>>, %arg3: memref<320000xf32, #tpu.memory_space<hbm>>, %arg4: memref<10000xf32, #tpu.memory_space<vmem>>, %arg5: memref<10000xi32, #tpu.memory_space<vmem>>) attributes {dimension_semantics = [#tpu.dimension_semantics<core_parallel>, #tpu.dimension_semantics<subcore_parallel>], iteration_bounds = array<i64: 2, 16>, scalar_prefetch = 0 : i64, scratch_operands = 2 : i64, tpu.core_type = #tpu.core_type<sc_vector_subcore>, window_params = [{transform_indices = #map}, {transform_indices = #map}]} {
    %mul3A = arith.constant 16 : i32
    %mul3A_0 = arith.muli %arg0, %mul3A : i32
    %add3A = arith.addi %mul3A_0, %arg1 : i32
    %broadcast_in_dim3A = arith.constant 0.000000e+00 : f32
    %broadcast_in_dim3A_1 = vector.broadcast %broadcast_in_dim3A : f32 to vector<16xf32>
    %scan3A = arith.constant 0 : i32
    %scan3A_2 = arith.constant 0 : i32
    %scan3A_3 = arith.constant 625 : i32
    %scan3A_4 = arith.addi %scan3A_2, %scan3A_3 : i32
    %scan3A_5 = arith.constant 1 : i32
    scf.for %scan3A_19 = %scan3A_2 to %scan3A_4 step %scan3A_5  : i32 {
      %mul3A_20 = arith.constant 16 : i32
      %mul3A_21 = arith.muli %scan3A_19, %mul3A_20 : i32
      %swap3A = arith.index_cast %mul3A_21 : i32 to index
      %swap3A_22 = tpu.vector_load %arg4[%swap3A] {strides = array<i32>} : memref<10000xf32, #tpu.memory_space<vmem>>, vector<16xf32>,
      tpu.vector_store %arg4[%swap3A], %broadcast_in_dim3A_1 {strides = array<i32>} : memref<10000xf32, #tpu.memory_space<vmem>>, vector<16xf32>,
    }
    %scan3A_6 = arith.constant 625 : i32
    %mul3A_7 = arith.constant 10000 : i32
    %mul3A_8 = arith.muli %add3A, %mul3A_7 : i32
    "tpu.region"() ({
      %run_scoped3A = tpu.sem_alloc : memref<!tpu.dma_semaphore, #tpu.memory_space<semaphore_mem>>
      %dma_start3A = tpu.memref_slice %arg2[%mul3A_8] : memref<320000xi32, #tpu.memory_space<hbm>> -> memref<10000xi32, #tpu.memory_space<hbm>>
      %dma_start3A_19 = tpu.memref_slice %arg2[%mul3A_8] : memref<320000xi32, #tpu.memory_space<hbm>> -> memref<10000xi32, #tpu.memory_space<hbm>>
      tpu.enqueue_dma source(%dma_start3A_19 : memref<10000xi32, #tpu.memory_space<hbm>>) target(%arg5 : memref<10000xi32, #tpu.memory_space<vmem>>) target_semaphore(%run_scoped3A : memref<!tpu.dma_semaphore, #tpu.memory_space<semaphore_mem>>)
      %dma_wait3A = tpu.memref_slice %arg2[%mul3A_8] : memref<320000xi32, #tpu.memory_space<hbm>> -> memref<10000xi32, #tpu.memory_space<hbm>>
      %dma_wait3A_20 = tpu.memref_slice %arg2[%mul3A_8] : memref<320000xi32, #tpu.memory_space<hbm>> -> memref<10000xi32, #tpu.memory_space<hbm>>
      tpu.wait_dma2 semaphore(%run_scoped3A : memref<!tpu.dma_semaphore, #tpu.memory_space<semaphore_mem>>) src(%dma_wait3A_20 : memref<10000xi32, #tpu.memory_space<hbm>>) dst(%arg5 : memref<10000xi32, #tpu.memory_space<vmem>>)
      tpu.yield
    }) : () -> ()
    %broadcast_in_dim3A_9 = arith.constant 1.000000e+00 : f32
    %broadcast_in_dim3A_10 = vector.broadcast %broadcast_in_dim3A_9 : f32 to vector<16xf32>
    %scan3A_11 = arith.constant 0 : i32
    %scan3A_12 = arith.constant 0 : i32
    %scan3A_13 = arith.constant 625 : i32
    %scan3A_14 = arith.addi %scan3A_12, %scan3A_13 : i32
    %scan3A_15 = arith.constant 1 : i32
    scf.for %scan3A_19 = %scan3A_12 to %scan3A_14 step %scan3A_15  : i32 {
      %mul3A_20 = arith.constant 16 : i32
      %mul3A_21 = arith.muli %scan3A_19, %mul3A_20 : i32
      %get3A = arith.index_cast %mul3A_21 : i32 to index
      %get3A_22 = tpu.vector_load %arg5[%get3A] {strides = array<i32>} : memref<10000xi32, #tpu.memory_space<vmem>>, vector<16xi32>,
      tpu.vector_store_idx %arg4[%get3A_22], %broadcast_in_dim3A_10 {add = true} : memref<10000xf32, #tpu.memory_space<vmem>>[vector<16xi32>], vector<16xf32>,
    }
    %scan3A_16 = arith.constant 625 : i32
    %mul3A_17 = arith.constant 10000 : i32
    %mul3A_18 = arith.muli %add3A, %mul3A_17 : i32
    "tpu.region"() ({
      %run_scoped3A = tpu.sem_alloc : memref<!tpu.dma_semaphore, #tpu.memory_space<semaphore_mem>>
      %dma_start3A = tpu.memref_slice %arg3[%mul3A_18] : memref<320000xf32, #tpu.memory_space<hbm>> -> memref<10000xf32, #tpu.memory_space<hbm>>
      %dma_start3A_19 = tpu.memref_slice %arg3[%mul3A_18] : memref<320000xf32, #tpu.memory_space<hbm>> -> memref<10000xf32, #tpu.memory_space<hbm>>
      tpu.enqueue_dma source(%arg4 : memref<10000xf32, #tpu.memory_space<vmem>>) target(%dma_start3A_19 : memref<10000xf32, #tpu.memory_space<hbm>>) target_semaphore(%run_scoped3A : memref<!tpu.dma_semaphore, #tpu.memory_space<semaphore_mem>>)
      %dma_wait3A = tpu.memref_slice %arg3[%mul3A_18] : memref<320000xf32, #tpu.memory_space<hbm>> -> memref<10000xf32, #tpu.memory_space<hbm>>
      %dma_wait3A_20 = tpu.memref_slice %arg3[%mul3A_18] : memref<320000xf32, #tpu.memory_space<hbm>> -> memref<10000xf32, #tpu.memory_space<hbm>>
      tpu.wait_dma2 semaphore(%run_scoped3A : memref<!tpu.dma_semaphore, #tpu.memory_space<semaphore_mem>>) src(%arg4 : memref<10000xf32, #tpu.memory_space<vmem>>) dst(%dma_wait3A_20 : memref<10000xf32, #tpu.memory_space<hbm>>)
      tpu.yield
    }) : () -> ()
    return
  }
}

#map = affine_map<(d0, d1) -> (0, 0)>
#map1 = affine_map<(d0, d1) -> (0)>
#map2 = affine_map<(d0, d1) -> (0, 0, 0)>
module attributes {stable_mosaic.version = 14 : i64} {
  func.func @_edge_kernel(%arg0: i32, %arg1: i32, %arg2: memref<10240x128xf32, #tpu.memory_space<hbm>>, %arg3: memref<327680xi32, #tpu.memory_space<hbm>>, %arg4: memref<327680xi32, #tpu.memory_space<hbm>>, %arg5: memref<10240x128xf32, #tpu.memory_space<hbm>>, %arg6: memref<2x10240x128xf32, #tpu.memory_space<hbm>>, %arg7: memref<10240x128xf32, #tpu.memory_space<vmem_shared>>, %arg8: memref<128xi32, #tpu.memory_space<vmem>>, %arg9: memref<128xi32, #tpu.memory_space<vmem>>, %arg10: memref<128xi32, #tpu.memory_space<vmem>>, %arg11: memref<128xi32, #tpu.memory_space<vmem>>, %arg12: memref<128x128xf32, #tpu.memory_space<vmem>>, %arg13: memref<128x128xf32, #tpu.memory_space<vmem>>, %arg14: memref<!tpu.dma_semaphore, #tpu.memory_space<semaphore_mem>>, %arg15: memref<!tpu.dma_semaphore, #tpu.memory_space<semaphore_mem>>, %arg16: memref<!tpu.dma_semaphore, #tpu.memory_space<semaphore_mem>>) attributes {dimension_semantics = [#tpu.dimension_semantics<core_parallel>, #tpu.dimension_semantics<subcore_parallel>], iteration_bounds = array<i64: 2, 16>, scalar_prefetch = 0 : i64, scratch_operands = 10 : i64, tpu.core_type = #tpu.core_type<sc_vector_subcore>, window_params = [{transform_indices = #map}, {transform_indices = #map1}, {transform_indices = #map1}, {transform_indices = #map}, {transform_indices = #map2}]} {
    %mul3A = arith.constant 16 : i32
    %mul3A_0 = arith.muli %arg0, %mul3A : i32
    %add3A = arith.addi %mul3A_0, %arg1 : i32
    %mul3A_1 = arith.constant 640 : i32
    %mul3A_2 = arith.muli %arg1, %mul3A_1 : i32
    "tpu.region"() ({
      %run_scoped3A = tpu.sem_alloc : memref<!tpu.dma_semaphore, #tpu.memory_space<semaphore_mem>>
      %dma_start3A_25 = arith.constant 0 : i32
      %dma_start3A_26 = tpu.memref_slice %arg7[%mul3A_2, %dma_start3A_25] : memref<10240x128xf32, #tpu.memory_space<vmem_shared>> -> memref<640x128xf32, #tpu.memory_space<vmem_shared>>
      %dma_start3A_27 = arith.constant 0 : i32
      %dma_start3A_28 = tpu.memref_slice %arg5[%mul3A_2, %dma_start3A_27] : memref<10240x128xf32, #tpu.memory_space<hbm>> -> memref<640x128xf32, #tpu.memory_space<hbm>>
      tpu.enqueue_dma source(%dma_start3A_28 : memref<640x128xf32, #tpu.memory_space<hbm>>) target(%dma_start3A_26 : memref<640x128xf32, #tpu.memory_space<vmem_shared>>) target_semaphore(%run_scoped3A : memref<!tpu.dma_semaphore, #tpu.memory_space<semaphore_mem>>)
      %dma_wait3A_29 = arith.constant 0 : i32
      %dma_wait3A_30 = tpu.memref_slice %arg7[%mul3A_2, %dma_wait3A_29] : memref<10240x128xf32, #tpu.memory_space<vmem_shared>> -> memref<640x128xf32, #tpu.memory_space<vmem_shared>>
      %dma_wait3A_31 = arith.constant 0 : i32
      %dma_wait3A_32 = tpu.memref_slice %arg5[%mul3A_2, %dma_wait3A_31] : memref<10240x128xf32, #tpu.memory_space<hbm>> -> memref<640x128xf32, #tpu.memory_space<hbm>>
      tpu.wait_dma2 semaphore(%run_scoped3A : memref<!tpu.dma_semaphore, #tpu.memory_space<semaphore_mem>>) src(%dma_wait3A_32 : memref<640x128xf32, #tpu.memory_space<hbm>>) dst(%dma_wait3A_30 : memref<640x128xf32, #tpu.memory_space<vmem_shared>>)
      tpu.yield
    }) : () -> ()
    %barrier3A = arith.constant 0 : index
    tpu.barrier barrier_id(%barrier3A)
    %mul3A_3 = arith.constant 10240 : i32
    %mul3A_4 = arith.muli %add3A, %mul3A_3 : i32
    "tpu.region"() ({
      %run_scoped3A = tpu.sem_alloc : memref<!tpu.dma_semaphore, #tpu.memory_space<semaphore_mem>>
      %dma_start3A_25 = tpu.memref_slice %arg3[%mul3A_4] : memref<327680xi32, #tpu.memory_space<hbm>> -> memref<128xi32, #tpu.memory_space<hbm>>
      %dma_start3A_26 = tpu.memref_slice %arg3[%mul3A_4] : memref<327680xi32, #tpu.memory_space<hbm>> -> memref<128xi32, #tpu.memory_space<hbm>>
      tpu.enqueue_dma source(%dma_start3A_26 : memref<128xi32, #tpu.memory_space<hbm>>) target(%arg8 : memref<128xi32, #tpu.memory_space<vmem>>) target_semaphore(%run_scoped3A : memref<!tpu.dma_semaphore, #tpu.memory_space<semaphore_mem>>)
      %dma_wait3A_27 = tpu.memref_slice %arg3[%mul3A_4] : memref<327680xi32, #tpu.memory_space<hbm>> -> memref<128xi32, #tpu.memory_space<hbm>>
      %dma_wait3A_28 = tpu.memref_slice %arg3[%mul3A_4] : memref<327680xi32, #tpu.memory_space<hbm>> -> memref<128xi32, #tpu.memory_space<hbm>>
      tpu.wait_dma2 semaphore(%run_scoped3A : memref<!tpu.dma_semaphore, #tpu.memory_space<semaphore_mem>>) src(%dma_wait3A_28 : memref<128xi32, #tpu.memory_space<hbm>>) dst(%arg8 : memref<128xi32, #tpu.memory_space<vmem>>)
      tpu.yield
    }) : () -> ()
    "tpu.region"() ({
      %run_scoped3A = tpu.sem_alloc : memref<!tpu.dma_semaphore, #tpu.memory_space<semaphore_mem>>
      %dma_start3A_25 = tpu.memref_slice %arg4[%mul3A_4] : memref<327680xi32, #tpu.memory_space<hbm>> -> memref<128xi32, #tpu.memory_space<hbm>>
      %dma_start3A_26 = tpu.memref_slice %arg4[%mul3A_4] : memref<327680xi32, #tpu.memory_space<hbm>> -> memref<128xi32, #tpu.memory_space<hbm>>
      tpu.enqueue_dma source(%dma_start3A_26 : memref<128xi32, #tpu.memory_space<hbm>>) target(%arg9 : memref<128xi32, #tpu.memory_space<vmem>>) target_semaphore(%run_scoped3A : memref<!tpu.dma_semaphore, #tpu.memory_space<semaphore_mem>>)
      %dma_wait3A_27 = tpu.memref_slice %arg4[%mul3A_4] : memref<327680xi32, #tpu.memory_space<hbm>> -> memref<128xi32, #tpu.memory_space<hbm>>
      %dma_wait3A_28 = tpu.memref_slice %arg4[%mul3A_4] : memref<327680xi32, #tpu.memory_space<hbm>> -> memref<128xi32, #tpu.memory_space<hbm>>
      tpu.wait_dma2 semaphore(%run_scoped3A : memref<!tpu.dma_semaphore, #tpu.memory_space<semaphore_mem>>) src(%dma_wait3A_28 : memref<128xi32, #tpu.memory_space<hbm>>) dst(%arg9 : memref<128xi32, #tpu.memory_space<vmem>>)
      tpu.yield
    }) : () -> ()
    %dma_start3A = arith.constant 0 : i32
    %dma_start3A_5 = arith.constant 0 : i32
    %dma_start3A_6 = tpu.memref_slice %arg2[%dma_start3A, %dma_start3A_5] : memref<10240x128xf32, #tpu.memory_space<hbm>> -> memref<10240x128xf32, #tpu.memory_space<hbm>>
    tpu.enqueue_indirect_dma source(%dma_start3A_6 : memref<10240x128xf32, #tpu.memory_space<hbm>>) target(%arg12 : memref<128x128xf32, #tpu.memory_space<vmem>>) offsets(%arg8 : memref<128xi32, #tpu.memory_space<vmem>>) semaphore(%arg14 : memref<!tpu.dma_semaphore, #tpu.memory_space<semaphore_mem>>)
    %add3A_7 = arith.constant 128 : i32
    %add3A_8 = arith.addi %mul3A_4, %add3A_7 : i32
    "tpu.region"() ({
      %run_scoped3A = tpu.sem_alloc : memref<!tpu.dma_semaphore, #tpu.memory_space<semaphore_mem>>
      %dma_start3A_25 = tpu.memref_slice %arg3[%add3A_8] : memref<327680xi32, #tpu.memory_space<hbm>> -> memref<128xi32, #tpu.memory_space<hbm>>
      %dma_start3A_26 = tpu.memref_slice %arg3[%add3A_8] : memref<327680xi32, #tpu.memory_space<hbm>> -> memref<128xi32, #tpu.memory_space<hbm>>
      tpu.enqueue_dma source(%dma_start3A_26 : memref<128xi32, #tpu.memory_space<hbm>>) target(%arg10 : memref<128xi32, #tpu.memory_space<vmem>>) target_semaphore(%run_scoped3A : memref<!tpu.dma_semaphore, #tpu.memory_space<semaphore_mem>>)
      %dma_wait3A_27 = tpu.memref_slice %arg3[%add3A_8] : memref<327680xi32, #tpu.memory_space<hbm>> -> memref<128xi32, #tpu.memory_space<hbm>>
      %dma_wait3A_28 = tpu.memref_slice %arg3[%add3A_8] : memref<327680xi32, #tpu.memory_space<hbm>> -> memref<128xi32, #tpu.memory_space<hbm>>
      tpu.wait_dma2 semaphore(%run_scoped3A : memref<!tpu.dma_semaphore, #tpu.memory_space<semaphore_mem>>) src(%dma_wait3A_28 : memref<128xi32, #tpu.memory_space<hbm>>) dst(%arg10 : memref<128xi32, #tpu.memory_space<vmem>>)
      tpu.yield
    }) : () -> ()
    %add3A_9 = arith.constant 128 : i32
    %add3A_10 = arith.addi %mul3A_4, %add3A_9 : i32
    "tpu.region"() ({
      %run_scoped3A = tpu.sem_alloc : memref<!tpu.dma_semaphore, #tpu.memory_space<semaphore_mem>>
      %dma_start3A_25 = tpu.memref_slice %arg4[%add3A_10] : memref<327680xi32, #tpu.memory_space<hbm>> -> memref<128xi32, #tpu.memory_space<hbm>>
      %dma_start3A_26 = tpu.memref_slice %arg4[%add3A_10] : memref<327680xi32, #tpu.memory_space<hbm>> -> memref<128xi32, #tpu.memory_space<hbm>>
      tpu.enqueue_dma source(%dma_start3A_26 : memref<128xi32, #tpu.memory_space<hbm>>) target(%arg11 : memref<128xi32, #tpu.memory_space<vmem>>) target_semaphore(%run_scoped3A : memref<!tpu.dma_semaphore, #tpu.memory_space<semaphore_mem>>)
      %dma_wait3A_27 = tpu.memref_slice %arg4[%add3A_10] : memref<327680xi32, #tpu.memory_space<hbm>> -> memref<128xi32, #tpu.memory_space<hbm>>
      %dma_wait3A_28 = tpu.memref_slice %arg4[%add3A_10] : memref<327680xi32, #tpu.memory_space<hbm>> -> memref<128xi32, #tpu.memory_space<hbm>>
      tpu.wait_dma2 semaphore(%run_scoped3A : memref<!tpu.dma_semaphore, #tpu.memory_space<semaphore_mem>>) src(%dma_wait3A_28 : memref<128xi32, #tpu.memory_space<hbm>>) dst(%arg11 : memref<128xi32, #tpu.memory_space<vmem>>)
      tpu.yield
    }) : () -> ()
    %dma_wait3A = arith.constant 0 : i32
    %dma_wait3A_11 = arith.constant 0 : i32
    %dma_wait3A_12 = tpu.memref_slice %arg2[%dma_wait3A, %dma_wait3A_11] : memref<10240x128xf32, #tpu.memory_space<hbm>> -> memref<10240x128xf32, #tpu.memory_space<hbm>>
    tpu.wait_indirect_dma semaphore(%arg14 : memref<!tpu.dma_semaphore, #tpu.memory_space<semaphore_mem>>) src(%dma_wait3A_12 : memref<10240x128xf32, #tpu.memory_space<hbm>>) dst(%arg12 : memref<128x128xf32, #tpu.memory_space<vmem>>)
    %scan3A = arith.constant 0 : i32
    %scan3A_13 = arith.constant 0 : i32
    %scan3A_14 = arith.constant 39 : i32
    %scan3A_15 = arith.addi %scan3A_13, %scan3A_14 : i32
    %scan3A_16 = arith.constant 1 : i32
    scf.for %scan3A_25 = %scan3A_13 to %scan3A_15 step %scan3A_16  : i32 {
      %mul3A_26 = arith.constant 2 : i32
      %mul3A_27 = arith.muli %mul3A_26, %scan3A_25 : i32
      %dma_start3A_28 = arith.constant 0 : i32
      %dma_start3A_29 = arith.constant 0 : i32
      %dma_start3A_30 = tpu.memref_slice %arg2[%dma_start3A_28, %dma_start3A_29] : memref<10240x128xf32, #tpu.memory_space<hbm>> -> memref<10240x128xf32, #tpu.memory_space<hbm>>
      tpu.enqueue_indirect_dma source(%dma_start3A_30 : memref<10240x128xf32, #tpu.memory_space<hbm>>) target(%arg13 : memref<128x128xf32, #tpu.memory_space<vmem>>) offsets(%arg10 : memref<128xi32, #tpu.memory_space<vmem>>) semaphore(%arg15 : memref<!tpu.dma_semaphore, #tpu.memory_space<semaphore_mem>>)
      "tpu.region"() ({
        %run_scoped3A = tpu.sem_alloc : memref<!tpu.dma_semaphore, #tpu.memory_space<semaphore_mem>>
        %dma_start3A_66 = arith.constant 0 : i32
        %dma_start3A_67 = arith.constant 0 : i32
        %dma_start3A_68 = tpu.memref_slice %arg7[%dma_start3A_66, %dma_start3A_67] : memref<10240x128xf32, #tpu.memory_space<vmem_shared>> -> memref<10240x128xf32, #tpu.memory_space<vmem_shared>>
        tpu.enqueue_indirect_dma source(%arg12 : memref<128x128xf32, #tpu.memory_space<vmem>>) target(%dma_start3A_68 : memref<10240x128xf32, #tpu.memory_space<vmem_shared>>) offsets(%arg9 : memref<128xi32, #tpu.memory_space<vmem>>) semaphore(%run_scoped3A : memref<!tpu.dma_semaphore, #tpu.memory_space<semaphore_mem>>) {add = true}
        %dma_wait3A_69 = arith.constant 0 : i32
        %dma_wait3A_70 = arith.constant 0 : i32
        %dma_wait3A_71 = tpu.memref_slice %arg7[%dma_wait3A_69, %dma_wait3A_70] : memref<10240x128xf32, #tpu.memory_space<vmem_shared>> -> memref<10240x128xf32, #tpu.memory_space<vmem_shared>>
        tpu.wait_indirect_dma semaphore(%run_scoped3A : memref<!tpu.dma_semaphore, #tpu.memory_space<semaphore_mem>>) src(%arg12 : memref<128x128xf32, #tpu.memory_space<vmem>>) dst(%dma_wait3A_71 : memref<10240x128xf32, #tpu.memory_space<vmem_shared>>)
        tpu.yield
      }) : () -> ()
      %add3A_31 = arith.constant 2 : i32
      %add3A_32 = arith.addi %mul3A_27, %add3A_31 : i32
      %mul3A_33 = arith.constant 128 : i32
      %mul3A_34 = arith.muli %add3A_32, %mul3A_33 : i32
      %add3A_35 = arith.addi %mul3A_4, %mul3A_34 : i32
      %dma_start3A_36 = tpu.memref_slice %arg3[%add3A_35] : memref<327680xi32, #tpu.memory_space<hbm>> -> memref<128xi32, #tpu.memory_space<hbm>>
      %dma_start3A_37 = tpu.memref_slice %arg3[%add3A_35] : memref<327680xi32, #tpu.memory_space<hbm>> -> memref<128xi32, #tpu.memory_space<hbm>>
      tpu.enqueue_dma source(%dma_start3A_37 : memref<128xi32, #tpu.memory_space<hbm>>) target(%arg8 : memref<128xi32, #tpu.memory_space<vmem>>) target_semaphore(%arg16 : memref<!tpu.dma_semaphore, #tpu.memory_space<semaphore_mem>>)
      %dma_start3A_38 = tpu.memref_slice %arg4[%add3A_35] : memref<327680xi32, #tpu.memory_space<hbm>> -> memref<128xi32, #tpu.memory_space<hbm>>
      %dma_start3A_39 = tpu.memref_slice %arg4[%add3A_35] : memref<327680xi32, #tpu.memory_space<hbm>> -> memref<128xi32, #tpu.memory_space<hbm>>
      tpu.enqueue_dma source(%dma_start3A_39 : memref<128xi32, #tpu.memory_space<hbm>>) target(%arg9 : memref<128xi32, #tpu.memory_space<vmem>>) target_semaphore(%arg16 : memref<!tpu.dma_semaphore, #tpu.memory_space<semaphore_mem>>)
      %dma_wait3A_40 = arith.constant 0 : i32
      %dma_wait3A_41 = arith.constant 0 : i32
      %dma_wait3A_42 = tpu.memref_slice %arg2[%dma_wait3A_40, %dma_wait3A_41] : memref<10240x128xf32, #tpu.memory_space<hbm>> -> memref<10240x128xf32, #tpu.memory_space<hbm>>
      tpu.wait_indirect_dma semaphore(%arg15 : memref<!tpu.dma_semaphore, #tpu.memory_space<semaphore_mem>>) src(%dma_wait3A_42 : memref<10240x128xf32, #tpu.memory_space<hbm>>) dst(%arg13 : memref<128x128xf32, #tpu.memory_space<vmem>>)
      %dma_wait3A_43 = tpu.memref_slice %arg3[%add3A_35] : memref<327680xi32, #tpu.memory_space<hbm>> -> memref<128xi32, #tpu.memory_space<hbm>>
      %dma_wait3A_44 = tpu.memref_slice %arg3[%add3A_35] : memref<327680xi32, #tpu.memory_space<hbm>> -> memref<128xi32, #tpu.memory_space<hbm>>
      tpu.wait_dma2 semaphore(%arg16 : memref<!tpu.dma_semaphore, #tpu.memory_space<semaphore_mem>>) src(%dma_wait3A_44 : memref<128xi32, #tpu.memory_space<hbm>>) dst(%arg8 : memref<128xi32, #tpu.memory_space<vmem>>)
      %dma_wait3A_45 = tpu.memref_slice %arg4[%add3A_35] : memref<327680xi32, #tpu.memory_space<hbm>> -> memref<128xi32, #tpu.memory_space<hbm>>
      %dma_wait3A_46 = tpu.memref_slice %arg4[%add3A_35] : memref<327680xi32, #tpu.memory_space<hbm>> -> memref<128xi32, #tpu.memory_space<hbm>>
      tpu.wait_dma2 semaphore(%arg16 : memref<!tpu.dma_semaphore, #tpu.memory_space<semaphore_mem>>) src(%dma_wait3A_46 : memref<128xi32, #tpu.memory_space<hbm>>) dst(%arg9 : memref<128xi32, #tpu.memory_space<vmem>>)
      %dma_start3A_47 = arith.constant 0 : i32
      %dma_start3A_48 = arith.constant 0 : i32
      %dma_start3A_49 = tpu.memref_slice %arg2[%dma_start3A_47, %dma_start3A_48] : memref<10240x128xf32, #tpu.memory_space<hbm>> -> memref<10240x128xf32, #tpu.memory_space<hbm>>
      tpu.enqueue_indirect_dma source(%dma_start3A_49 : memref<10240x128xf32, #tpu.memory_space<hbm>>) target(%arg12 : memref<128x128xf32, #tpu.memory_space<vmem>>) offsets(%arg8 : memref<128xi32, #tpu.memory_space<vmem>>) semaphore(%arg14 : memref<!tpu.dma_semaphore, #tpu.memory_space<semaphore_mem>>)
      "tpu.region"() ({
        %run_scoped3A = tpu.sem_alloc : memref<!tpu.dma_semaphore, #tpu.memory_space<semaphore_mem>>
        %dma_start3A_66 = arith.constant 0 : i32
        %dma_start3A_67 = arith.constant 0 : i32
        %dma_start3A_68 = tpu.memref_slice %arg7[%dma_start3A_66, %dma_start3A_67] : memref<10240x128xf32, #tpu.memory_space<vmem_shared>> -> memref<10240x128xf32, #tpu.memory_space<vmem_shared>>
        tpu.enqueue_indirect_dma source(%arg13 : memref<128x128xf32, #tpu.memory_space<vmem>>) target(%dma_start3A_68 : memref<10240x128xf32, #tpu.memory_space<vmem_shared>>) offsets(%arg11 : memref<128xi32, #tpu.memory_space<vmem>>) semaphore(%run_scoped3A : memref<!tpu.dma_semaphore, #tpu.memory_space<semaphore_mem>>) {add = true}
        %dma_wait3A_69 = arith.constant 0 : i32
        %dma_wait3A_70 = arith.constant 0 : i32
        %dma_wait3A_71 = tpu.memref_slice %arg7[%dma_wait3A_69, %dma_wait3A_70] : memref<10240x128xf32, #tpu.memory_space<vmem_shared>> -> memref<10240x128xf32, #tpu.memory_space<vmem_shared>>
        tpu.wait_indirect_dma semaphore(%run_scoped3A : memref<!tpu.dma_semaphore, #tpu.memory_space<semaphore_mem>>) src(%arg13 : memref<128x128xf32, #tpu.memory_space<vmem>>) dst(%dma_wait3A_71 : memref<10240x128xf32, #tpu.memory_space<vmem_shared>>)
        tpu.yield
      }) : () -> ()
      %add3A_50 = arith.constant 3 : i32
      %add3A_51 = arith.addi %mul3A_27, %add3A_50 : i32
      %mul3A_52 = arith.constant 128 : i32
      %mul3A_53 = arith.muli %add3A_51, %mul3A_52 : i32
      %add3A_54 = arith.addi %mul3A_4, %mul3A_53 : i32
      %dma_start3A_55 = tpu.memref_slice %arg3[%add3A_54] : memref<327680xi32, #tpu.memory_space<hbm>> -> memref<128xi32, #tpu.memory_space<hbm>>
      %dma_start3A_56 = tpu.memref_slice %arg3[%add3A_54] : memref<327680xi32, #tpu.memory_space<hbm>> -> memref<128xi32, #tpu.memory_space<hbm>>
      tpu.enqueue_dma source(%dma_start3A_56 : memref<128xi32, #tpu.memory_space<hbm>>) target(%arg10 : memref<128xi32, #tpu.memory_space<vmem>>) target_semaphore(%arg16 : memref<!tpu.dma_semaphore, #tpu.memory_space<semaphore_mem>>)
      %dma_start3A_57 = tpu.memref_slice %arg4[%add3A_54] : memref<327680xi32, #tpu.memory_space<hbm>> -> memref<128xi32, #tpu.memory_space<hbm>>
      %dma_start3A_58 = tpu.memref_slice %arg4[%add3A_54] : memref<327680xi32, #tpu.memory_space<hbm>> -> memref<128xi32, #tpu.memory_space<hbm>>
      tpu.enqueue_dma source(%dma_start3A_58 : memref<128xi32, #tpu.memory_space<hbm>>) target(%arg11 : memref<128xi32, #tpu.memory_space<vmem>>) target_semaphore(%arg16 : memref<!tpu.dma_semaphore, #tpu.memory_space<semaphore_mem>>)
      %dma_wait3A_59 = arith.constant 0 : i32
      %dma_wait3A_60 = arith.constant 0 : i32
      %dma_wait3A_61 = tpu.memref_slice %arg2[%dma_wait3A_59, %dma_wait3A_60] : memref<10240x128xf32, #tpu.memory_space<hbm>> -> memref<10240x128xf32, #tpu.memory_space<hbm>>
      tpu.wait_indirect_dma semaphore(%arg14 : memref<!tpu.dma_semaphore, #tpu.memory_space<semaphore_mem>>) src(%dma_wait3A_61 : memref<10240x128xf32, #tpu.memory_space<hbm>>) dst(%arg12 : memref<128x128xf32, #tpu.memory_space<vmem>>)
      %dma_wait3A_62 = tpu.memref_slice %arg3[%add3A_54] : memref<327680xi32, #tpu.memory_space<hbm>> -> memref<128xi32, #tpu.memory_space<hbm>>
      %dma_wait3A_63 = tpu.memref_slice %arg3[%add3A_54] : memref<327680xi32, #tpu.memory_space<hbm>> -> memref<128xi32, #tpu.memory_space<hbm>>
      tpu.wait_dma2 semaphore(%arg16 : memref<!tpu.dma_semaphore, #tpu.memory_space<semaphore_mem>>) src(%dma_wait3A_63 : memref<128xi32, #tpu.memory_space<hbm>>) dst(%arg10 : memref<128xi32, #tpu.memory_space<vmem>>)
      %dma_wait3A_64 = tpu.memref_slice %arg4[%add3A_54] : memref<327680xi32, #tpu.memory_space<hbm>> -> memref<128xi32, #tpu.memory_space<hbm>>
      %dma_wait3A_65 = tpu.memref_slice %arg4[%add3A_54] : memref<327680xi32, #tpu.memory_space<hbm>> -> memref<128xi32, #tpu.memory_space<hbm>>
      tpu.wait_dma2 semaphore(%arg16 : memref<!tpu.dma_semaphore, #tpu.memory_space<semaphore_mem>>) src(%dma_wait3A_65 : memref<128xi32, #tpu.memory_space<hbm>>) dst(%arg11 : memref<128xi32, #tpu.memory_space<vmem>>)
    }
    %scan3A_17 = arith.constant 39 : i32
    %dma_start3A_18 = arith.constant 0 : i32
    %dma_start3A_19 = arith.constant 0 : i32
    %dma_start3A_20 = tpu.memref_slice %arg2[%dma_start3A_18, %dma_start3A_19] : memref<10240x128xf32, #tpu.memory_space<hbm>> -> memref<10240x128xf32, #tpu.memory_space<hbm>>
    tpu.enqueue_indirect_dma source(%dma_start3A_20 : memref<10240x128xf32, #tpu.memory_space<hbm>>) target(%arg13 : memref<128x128xf32, #tpu.memory_space<vmem>>) offsets(%arg10 : memref<128xi32, #tpu.memory_space<vmem>>) semaphore(%arg15 : memref<!tpu.dma_semaphore, #tpu.memory_space<semaphore_mem>>)
    "tpu.region"() ({
      %run_scoped3A = tpu.sem_alloc : memref<!tpu.dma_semaphore, #tpu.memory_space<semaphore_mem>>
      %dma_start3A_25 = arith.constant 0 : i32
      %dma_start3A_26 = arith.constant 0 : i32
      %dma_start3A_27 = tpu.memref_slice %arg7[%dma_start3A_25, %dma_start3A_26] : memref<10240x128xf32, #tpu.memory_space<vmem_shared>> -> memref<10240x128xf32, #tpu.memory_space<vmem_shared>>
      tpu.enqueue_indirect_dma source(%arg12 : memref<128x128xf32, #tpu.memory_space<vmem>>) target(%dma_start3A_27 : memref<10240x128xf32, #tpu.memory_space<vmem_shared>>) offsets(%arg9 : memref<128xi32, #tpu.memory_space<vmem>>) semaphore(%run_scoped3A : memref<!tpu.dma_semaphore, #tpu.memory_space<semaphore_mem>>) {add = true}
      %dma_wait3A_28 = arith.constant 0 : i32
      %dma_wait3A_29 = arith.constant 0 : i32
      %dma_wait3A_30 = tpu.memref_slice %arg7[%dma_wait3A_28, %dma_wait3A_29] : memref<10240x128xf32, #tpu.memory_space<vmem_shared>> -> memref<10240x128xf32, #tpu.memory_space<vmem_shared>>
      tpu.wait_indirect_dma semaphore(%run_scoped3A : memref<!tpu.dma_semaphore, #tpu.memory_space<semaphore_mem>>) src(%arg12 : memref<128x128xf32, #tpu.memory_space<vmem>>) dst(%dma_wait3A_30 : memref<10240x128xf32, #tpu.memory_space<vmem_shared>>)
      tpu.yield
    }) : () -> ()
    %dma_wait3A_21 = arith.constant 0 : i32
    %dma_wait3A_22 = arith.constant 0 : i32
    %dma_wait3A_23 = tpu.memref_slice %arg2[%dma_wait3A_21, %dma_wait3A_22] : memref<10240x128xf32, #tpu.memory_space<hbm>> -> memref<10240x128xf32, #tpu.memory_space<hbm>>
    tpu.wait_indirect_dma semaphore(%arg15 : memref<!tpu.dma_semaphore, #tpu.memory_space<semaphore_mem>>) src(%dma_wait3A_23 : memref<10240x128xf32, #tpu.memory_space<hbm>>) dst(%arg13 : memref<128x128xf32, #tpu.memory_space<vmem>>)
    "tpu.region"() ({
      %run_scoped3A = tpu.sem_alloc : memref<!tpu.dma_semaphore, #tpu.memory_space<semaphore_mem>>
      %dma_start3A_25 = arith.constant 0 : i32
      %dma_start3A_26 = arith.constant 0 : i32
      %dma_start3A_27 = tpu.memref_slice %arg7[%dma_start3A_25, %dma_start3A_26] : memref<10240x128xf32, #tpu.memory_space<vmem_shared>> -> memref<10240x128xf32, #tpu.memory_space<vmem_shared>>
      tpu.enqueue_indirect_dma source(%arg13 : memref<128x128xf32, #tpu.memory_space<vmem>>) target(%dma_start3A_27 : memref<10240x128xf32, #tpu.memory_space<vmem_shared>>) offsets(%arg11 : memref<128xi32, #tpu.memory_space<vmem>>) semaphore(%run_scoped3A : memref<!tpu.dma_semaphore, #tpu.memory_space<semaphore_mem>>) {add = true}
      %dma_wait3A_28 = arith.constant 0 : i32
      %dma_wait3A_29 = arith.constant 0 : i32
      %dma_wait3A_30 = tpu.memref_slice %arg7[%dma_wait3A_28, %dma_wait3A_29] : memref<10240x128xf32, #tpu.memory_space<vmem_shared>> -> memref<10240x128xf32, #tpu.memory_space<vmem_shared>>
      tpu.wait_indirect_dma semaphore(%run_scoped3A : memref<!tpu.dma_semaphore, #tpu.memory_space<semaphore_mem>>) src(%arg13 : memref<128x128xf32, #tpu.memory_space<vmem>>) dst(%dma_wait3A_30 : memref<10240x128xf32, #tpu.memory_space<vmem_shared>>)
      tpu.yield
    }) : () -> ()
    %barrier3A_24 = arith.constant 0 : index
    tpu.barrier barrier_id(%barrier3A_24)
    "tpu.region"() ({
      %run_scoped3A = tpu.sem_alloc : memref<!tpu.dma_semaphore, #tpu.memory_space<semaphore_mem>>
      %dma_start3A_25 = arith.constant 0 : i32
      %dma_start3A_26 = tpu.memref_slice %arg6[%arg0, %mul3A_2, %dma_start3A_25] : memref<2x10240x128xf32, #tpu.memory_space<hbm>> -> memref<1x640x128xf32, #tpu.memory_space<hbm>>
      %dma_start3A_27 = tpu.memref_squeeze %dma_start3A_26 : memref<1x640x128xf32, #tpu.memory_space<hbm>> -> memref<640x128xf32, #tpu.memory_space<hbm>>
      %dma_start3A_28 = arith.constant 0 : i32
      %dma_start3A_29 = tpu.memref_slice %arg7[%mul3A_2, %dma_start3A_28] : memref<10240x128xf32, #tpu.memory_space<vmem_shared>> -> memref<640x128xf32, #tpu.memory_space<vmem_shared>>
      tpu.enqueue_dma source(%dma_start3A_29 : memref<640x128xf32, #tpu.memory_space<vmem_shared>>) target(%dma_start3A_27 : memref<640x128xf32, #tpu.memory_space<hbm>>) target_semaphore(%run_scoped3A : memref<!tpu.dma_semaphore, #tpu.memory_space<semaphore_mem>>)
      %dma_wait3A_30 = arith.constant 0 : i32
      %dma_wait3A_31 = tpu.memref_slice %arg6[%arg0, %mul3A_2, %dma_wait3A_30] : memref<2x10240x128xf32, #tpu.memory_space<hbm>> -> memref<1x640x128xf32, #tpu.memory_space<hbm>>
      %dma_wait3A_32 = tpu.memref_squeeze %dma_wait3A_31 : memref<1x640x128xf32, #tpu.memory_space<hbm>> -> memref<640x128xf32, #tpu.memory_space<hbm>>
      %dma_wait3A_33 = arith.constant 0 : i32
      %dma_wait3A_34 = tpu.memref_slice %arg7[%mul3A_2, %dma_wait3A_33] : memref<10240x128xf32, #tpu.memory_space<vmem_shared>> -> memref<640x128xf32, #tpu.memory_space<vmem_shared>>
      tpu.wait_dma2 semaphore(%run_scoped3A : memref<!tpu.dma_semaphore, #tpu.memory_space<semaphore_mem>>) src(%dma_wait3A_34 : memref<640x128xf32, #tpu.memory_space<vmem_shared>>) dst(%dma_wait3A_32 : memref<640x128xf32, #tpu.memory_space<hbm>>)
      tpu.yield
    }) : () -> ()
    return
  }
}

#map = affine_map<(d0, d1) -> (0, 0)>
#map1 = affine_map<(d0, d1) -> (0)>
#map2 = affine_map<(d0, d1) -> (0, 0, 0)>
module attributes {stable_mosaic.version = 14 : i64} {
  func.func @_edge_kernel(%arg0: i32, %arg1: i32, %arg2: memref<10240x128xf32, #tpu.memory_space<hbm>>, %arg3: memref<327680xi32, #tpu.memory_space<hbm>>, %arg4: memref<327680xi32, #tpu.memory_space<hbm>>, %arg5: memref<10240x128xf32, #tpu.memory_space<hbm>>, %arg6: memref<2x10240x128xf32, #tpu.memory_space<hbm>>, %arg7: memref<10240x128xf32, #tpu.memory_space<vmem_shared>>, %arg8: memref<128xi32, #tpu.memory_space<vmem>>, %arg9: memref<128xi32, #tpu.memory_space<vmem>>, %arg10: memref<128xi32, #tpu.memory_space<vmem>>, %arg11: memref<128xi32, #tpu.memory_space<vmem>>, %arg12: memref<128x128xf32, #tpu.memory_space<vmem>>, %arg13: memref<128x128xf32, #tpu.memory_space<vmem>>, %arg14: memref<!tpu.dma_semaphore, #tpu.memory_space<semaphore_mem>>, %arg15: memref<!tpu.dma_semaphore, #tpu.memory_space<semaphore_mem>>, %arg16: memref<!tpu.dma_semaphore, #tpu.memory_space<semaphore_mem>>) attributes {dimension_semantics = [#tpu.dimension_semantics<core_parallel>, #tpu.dimension_semantics<subcore_parallel>], iteration_bounds = array<i64: 2, 16>, scalar_prefetch = 0 : i64, scratch_operands = 10 : i64, tpu.core_type = #tpu.core_type<sc_vector_subcore>, window_params = [{transform_indices = #map}, {transform_indices = #map1}, {transform_indices = #map1}, {transform_indices = #map}, {transform_indices = #map2}]} {
    %mul3A = arith.constant 16 : i32
    %mul3A_0 = arith.muli %arg0, %mul3A : i32
    %add3A = arith.addi %mul3A_0, %arg1 : i32
    %mul3A_1 = arith.constant 640 : i32
    %mul3A_2 = arith.muli %arg1, %mul3A_1 : i32
    "tpu.region"() ({
      %run_scoped3A = tpu.sem_alloc : memref<!tpu.dma_semaphore, #tpu.memory_space<semaphore_mem>>
      %dma_start3A_25 = arith.constant 0 : i32
      %dma_start3A_26 = tpu.memref_slice %arg7[%mul3A_2, %dma_start3A_25] : memref<10240x128xf32, #tpu.memory_space<vmem_shared>> -> memref<640x128xf32, #tpu.memory_space<vmem_shared>>
      %dma_start3A_27 = arith.constant 0 : i32
      %dma_start3A_28 = tpu.memref_slice %arg5[%mul3A_2, %dma_start3A_27] : memref<10240x128xf32, #tpu.memory_space<hbm>> -> memref<640x128xf32, #tpu.memory_space<hbm>>
      tpu.enqueue_dma source(%dma_start3A_28 : memref<640x128xf32, #tpu.memory_space<hbm>>) target(%dma_start3A_26 : memref<640x128xf32, #tpu.memory_space<vmem_shared>>) target_semaphore(%run_scoped3A : memref<!tpu.dma_semaphore, #tpu.memory_space<semaphore_mem>>)
      %dma_wait3A_29 = arith.constant 0 : i32
      %dma_wait3A_30 = tpu.memref_slice %arg7[%mul3A_2, %dma_wait3A_29] : memref<10240x128xf32, #tpu.memory_space<vmem_shared>> -> memref<640x128xf32, #tpu.memory_space<vmem_shared>>
      %dma_wait3A_31 = arith.constant 0 : i32
      %dma_wait3A_32 = tpu.memref_slice %arg5[%mul3A_2, %dma_wait3A_31] : memref<10240x128xf32, #tpu.memory_space<hbm>> -> memref<640x128xf32, #tpu.memory_space<hbm>>
      tpu.wait_dma2 semaphore(%run_scoped3A : memref<!tpu.dma_semaphore, #tpu.memory_space<semaphore_mem>>) src(%dma_wait3A_32 : memref<640x128xf32, #tpu.memory_space<hbm>>) dst(%dma_wait3A_30 : memref<640x128xf32, #tpu.memory_space<vmem_shared>>)
      tpu.yield
    }) : () -> ()
    %barrier3A = arith.constant 0 : index
    tpu.barrier barrier_id(%barrier3A)
    %mul3A_3 = arith.constant 10240 : i32
    %mul3A_4 = arith.muli %add3A, %mul3A_3 : i32
    "tpu.region"() ({
      %run_scoped3A = tpu.sem_alloc : memref<!tpu.dma_semaphore, #tpu.memory_space<semaphore_mem>>
      %dma_start3A_25 = tpu.memref_slice %arg3[%mul3A_4] : memref<327680xi32, #tpu.memory_space<hbm>> -> memref<128xi32, #tpu.memory_space<hbm>>
      %dma_start3A_26 = tpu.memref_slice %arg3[%mul3A_4] : memref<327680xi32, #tpu.memory_space<hbm>> -> memref<128xi32, #tpu.memory_space<hbm>>
      tpu.enqueue_dma source(%dma_start3A_26 : memref<128xi32, #tpu.memory_space<hbm>>) target(%arg8 : memref<128xi32, #tpu.memory_space<vmem>>) target_semaphore(%run_scoped3A : memref<!tpu.dma_semaphore, #tpu.memory_space<semaphore_mem>>)
      %dma_wait3A_27 = tpu.memref_slice %arg3[%mul3A_4] : memref<327680xi32, #tpu.memory_space<hbm>> -> memref<128xi32, #tpu.memory_space<hbm>>
      %dma_wait3A_28 = tpu.memref_slice %arg3[%mul3A_4] : memref<327680xi32, #tpu.memory_space<hbm>> -> memref<128xi32, #tpu.memory_space<hbm>>
      tpu.wait_dma2 semaphore(%run_scoped3A : memref<!tpu.dma_semaphore, #tpu.memory_space<semaphore_mem>>) src(%dma_wait3A_28 : memref<128xi32, #tpu.memory_space<hbm>>) dst(%arg8 : memref<128xi32, #tpu.memory_space<vmem>>)
      tpu.yield
    }) : () -> ()
    "tpu.region"() ({
      %run_scoped3A = tpu.sem_alloc : memref<!tpu.dma_semaphore, #tpu.memory_space<semaphore_mem>>
      %dma_start3A_25 = tpu.memref_slice %arg4[%mul3A_4] : memref<327680xi32, #tpu.memory_space<hbm>> -> memref<128xi32, #tpu.memory_space<hbm>>
      %dma_start3A_26 = tpu.memref_slice %arg4[%mul3A_4] : memref<327680xi32, #tpu.memory_space<hbm>> -> memref<128xi32, #tpu.memory_space<hbm>>
      tpu.enqueue_dma source(%dma_start3A_26 : memref<128xi32, #tpu.memory_space<hbm>>) target(%arg9 : memref<128xi32, #tpu.memory_space<vmem>>) target_semaphore(%run_scoped3A : memref<!tpu.dma_semaphore, #tpu.memory_space<semaphore_mem>>)
      %dma_wait3A_27 = tpu.memref_slice %arg4[%mul3A_4] : memref<327680xi32, #tpu.memory_space<hbm>> -> memref<128xi32, #tpu.memory_space<hbm>>
      %dma_wait3A_28 = tpu.memref_slice %arg4[%mul3A_4] : memref<327680xi32, #tpu.memory_space<hbm>> -> memref<128xi32, #tpu.memory_space<hbm>>
      tpu.wait_dma2 semaphore(%run_scoped3A : memref<!tpu.dma_semaphore, #tpu.memory_space<semaphore_mem>>) src(%dma_wait3A_28 : memref<128xi32, #tpu.memory_space<hbm>>) dst(%arg9 : memref<128xi32, #tpu.memory_space<vmem>>)
      tpu.yield
    }) : () -> ()
    %dma_start3A = arith.constant 0 : i32
    %dma_start3A_5 = arith.constant 0 : i32
    %dma_start3A_6 = tpu.memref_slice %arg2[%dma_start3A, %dma_start3A_5] : memref<10240x128xf32, #tpu.memory_space<hbm>> -> memref<10240x128xf32, #tpu.memory_space<hbm>>
    tpu.enqueue_indirect_dma source(%dma_start3A_6 : memref<10240x128xf32, #tpu.memory_space<hbm>>) target(%arg12 : memref<128x128xf32, #tpu.memory_space<vmem>>) offsets(%arg8 : memref<128xi32, #tpu.memory_space<vmem>>) semaphore(%arg14 : memref<!tpu.dma_semaphore, #tpu.memory_space<semaphore_mem>>)
    %add3A_7 = arith.constant 128 : i32
    %add3A_8 = arith.addi %mul3A_4, %add3A_7 : i32
    "tpu.region"() ({
      %run_scoped3A = tpu.sem_alloc : memref<!tpu.dma_semaphore, #tpu.memory_space<semaphore_mem>>
      %dma_start3A_25 = tpu.memref_slice %arg3[%add3A_8] : memref<327680xi32, #tpu.memory_space<hbm>> -> memref<128xi32, #tpu.memory_space<hbm>>
      %dma_start3A_26 = tpu.memref_slice %arg3[%add3A_8] : memref<327680xi32, #tpu.memory_space<hbm>> -> memref<128xi32, #tpu.memory_space<hbm>>
      tpu.enqueue_dma source(%dma_start3A_26 : memref<128xi32, #tpu.memory_space<hbm>>) target(%arg10 : memref<128xi32, #tpu.memory_space<vmem>>) target_semaphore(%run_scoped3A : memref<!tpu.dma_semaphore, #tpu.memory_space<semaphore_mem>>)
      %dma_wait3A_27 = tpu.memref_slice %arg3[%add3A_8] : memref<327680xi32, #tpu.memory_space<hbm>> -> memref<128xi32, #tpu.memory_space<hbm>>
      %dma_wait3A_28 = tpu.memref_slice %arg3[%add3A_8] : memref<327680xi32, #tpu.memory_space<hbm>> -> memref<128xi32, #tpu.memory_space<hbm>>
      tpu.wait_dma2 semaphore(%run_scoped3A : memref<!tpu.dma_semaphore, #tpu.memory_space<semaphore_mem>>) src(%dma_wait3A_28 : memref<128xi32, #tpu.memory_space<hbm>>) dst(%arg10 : memref<128xi32, #tpu.memory_space<vmem>>)
      tpu.yield
    }) : () -> ()
    %add3A_9 = arith.constant 128 : i32
    %add3A_10 = arith.addi %mul3A_4, %add3A_9 : i32
    "tpu.region"() ({
      %run_scoped3A = tpu.sem_alloc : memref<!tpu.dma_semaphore, #tpu.memory_space<semaphore_mem>>
      %dma_start3A_25 = tpu.memref_slice %arg4[%add3A_10] : memref<327680xi32, #tpu.memory_space<hbm>> -> memref<128xi32, #tpu.memory_space<hbm>>
      %dma_start3A_26 = tpu.memref_slice %arg4[%add3A_10] : memref<327680xi32, #tpu.memory_space<hbm>> -> memref<128xi32, #tpu.memory_space<hbm>>
      tpu.enqueue_dma source(%dma_start3A_26 : memref<128xi32, #tpu.memory_space<hbm>>) target(%arg11 : memref<128xi32, #tpu.memory_space<vmem>>) target_semaphore(%run_scoped3A : memref<!tpu.dma_semaphore, #tpu.memory_space<semaphore_mem>>)
      %dma_wait3A_27 = tpu.memref_slice %arg4[%add3A_10] : memref<327680xi32, #tpu.memory_space<hbm>> -> memref<128xi32, #tpu.memory_space<hbm>>
      %dma_wait3A_28 = tpu.memref_slice %arg4[%add3A_10] : memref<327680xi32, #tpu.memory_space<hbm>> -> memref<128xi32, #tpu.memory_space<hbm>>
      tpu.wait_dma2 semaphore(%run_scoped3A : memref<!tpu.dma_semaphore, #tpu.memory_space<semaphore_mem>>) src(%dma_wait3A_28 : memref<128xi32, #tpu.memory_space<hbm>>) dst(%arg11 : memref<128xi32, #tpu.memory_space<vmem>>)
      tpu.yield
    }) : () -> ()
    %dma_wait3A = arith.constant 0 : i32
    %dma_wait3A_11 = arith.constant 0 : i32
    %dma_wait3A_12 = tpu.memref_slice %arg2[%dma_wait3A, %dma_wait3A_11] : memref<10240x128xf32, #tpu.memory_space<hbm>> -> memref<10240x128xf32, #tpu.memory_space<hbm>>
    tpu.wait_indirect_dma semaphore(%arg14 : memref<!tpu.dma_semaphore, #tpu.memory_space<semaphore_mem>>) src(%dma_wait3A_12 : memref<10240x128xf32, #tpu.memory_space<hbm>>) dst(%arg12 : memref<128x128xf32, #tpu.memory_space<vmem>>)
    %scan3A = arith.constant 0 : i32
    %scan3A_13 = arith.constant 0 : i32
    %scan3A_14 = arith.constant 39 : i32
    %scan3A_15 = arith.addi %scan3A_13, %scan3A_14 : i32
    %scan3A_16 = arith.constant 1 : i32
    scf.for %scan3A_25 = %scan3A_13 to %scan3A_15 step %scan3A_16  : i32 {
      %mul3A_26 = arith.constant 2 : i32
      %mul3A_27 = arith.muli %mul3A_26, %scan3A_25 : i32
      %dma_start3A_28 = arith.constant 0 : i32
      %dma_start3A_29 = arith.constant 0 : i32
      %dma_start3A_30 = tpu.memref_slice %arg2[%dma_start3A_28, %dma_start3A_29] : memref<10240x128xf32, #tpu.memory_space<hbm>> -> memref<10240x128xf32, #tpu.memory_space<hbm>>
      tpu.enqueue_indirect_dma source(%dma_start3A_30 : memref<10240x128xf32, #tpu.memory_space<hbm>>) target(%arg13 : memref<128x128xf32, #tpu.memory_space<vmem>>) offsets(%arg10 : memref<128xi32, #tpu.memory_space<vmem>>) semaphore(%arg15 : memref<!tpu.dma_semaphore, #tpu.memory_space<semaphore_mem>>)
      "tpu.region"() ({
        %run_scoped3A = tpu.sem_alloc : memref<!tpu.dma_semaphore, #tpu.memory_space<semaphore_mem>>
        %dma_start3A_66 = arith.constant 0 : i32
        %dma_start3A_67 = arith.constant 0 : i32
        %dma_start3A_68 = tpu.memref_slice %arg7[%dma_start3A_66, %dma_start3A_67] : memref<10240x128xf32, #tpu.memory_space<vmem_shared>> -> memref<10240x128xf32, #tpu.memory_space<vmem_shared>>
        tpu.enqueue_indirect_dma source(%arg12 : memref<128x128xf32, #tpu.memory_space<vmem>>) target(%dma_start3A_68 : memref<10240x128xf32, #tpu.memory_space<vmem_shared>>) offsets(%arg9 : memref<128xi32, #tpu.memory_space<vmem>>) semaphore(%run_scoped3A : memref<!tpu.dma_semaphore, #tpu.memory_space<semaphore_mem>>) {add = true}
        %dma_wait3A_69 = arith.constant 0 : i32
        %dma_wait3A_70 = arith.constant 0 : i32
        %dma_wait3A_71 = tpu.memref_slice %arg7[%dma_wait3A_69, %dma_wait3A_70] : memref<10240x128xf32, #tpu.memory_space<vmem_shared>> -> memref<10240x128xf32, #tpu.memory_space<vmem_shared>>
        tpu.wait_indirect_dma semaphore(%run_scoped3A : memref<!tpu.dma_semaphore, #tpu.memory_space<semaphore_mem>>) src(%arg12 : memref<128x128xf32, #tpu.memory_space<vmem>>) dst(%dma_wait3A_71 : memref<10240x128xf32, #tpu.memory_space<vmem_shared>>)
        tpu.yield
      }) : () -> ()
      %add3A_31 = arith.constant 2 : i32
      %add3A_32 = arith.addi %mul3A_27, %add3A_31 : i32
      %mul3A_33 = arith.constant 128 : i32
      %mul3A_34 = arith.muli %add3A_32, %mul3A_33 : i32
      %add3A_35 = arith.addi %mul3A_4, %mul3A_34 : i32
      %dma_start3A_36 = tpu.memref_slice %arg3[%add3A_35] : memref<327680xi32, #tpu.memory_space<hbm>> -> memref<128xi32, #tpu.memory_space<hbm>>
      %dma_start3A_37 = tpu.memref_slice %arg3[%add3A_35] : memref<327680xi32, #tpu.memory_space<hbm>> -> memref<128xi32, #tpu.memory_space<hbm>>
      tpu.enqueue_dma source(%dma_start3A_37 : memref<128xi32, #tpu.memory_space<hbm>>) target(%arg8 : memref<128xi32, #tpu.memory_space<vmem>>) target_semaphore(%arg16 : memref<!tpu.dma_semaphore, #tpu.memory_space<semaphore_mem>>)
      %dma_start3A_38 = tpu.memref_slice %arg4[%add3A_35] : memref<327680xi32, #tpu.memory_space<hbm>> -> memref<128xi32, #tpu.memory_space<hbm>>
      %dma_start3A_39 = tpu.memref_slice %arg4[%add3A_35] : memref<327680xi32, #tpu.memory_space<hbm>> -> memref<128xi32, #tpu.memory_space<hbm>>
      tpu.enqueue_dma source(%dma_start3A_39 : memref<128xi32, #tpu.memory_space<hbm>>) target(%arg9 : memref<128xi32, #tpu.memory_space<vmem>>) target_semaphore(%arg16 : memref<!tpu.dma_semaphore, #tpu.memory_space<semaphore_mem>>)
      %dma_wait3A_40 = arith.constant 0 : i32
      %dma_wait3A_41 = arith.constant 0 : i32
      %dma_wait3A_42 = tpu.memref_slice %arg2[%dma_wait3A_40, %dma_wait3A_41] : memref<10240x128xf32, #tpu.memory_space<hbm>> -> memref<10240x128xf32, #tpu.memory_space<hbm>>
      tpu.wait_indirect_dma semaphore(%arg15 : memref<!tpu.dma_semaphore, #tpu.memory_space<semaphore_mem>>) src(%dma_wait3A_42 : memref<10240x128xf32, #tpu.memory_space<hbm>>) dst(%arg13 : memref<128x128xf32, #tpu.memory_space<vmem>>)
      %dma_wait3A_43 = tpu.memref_slice %arg3[%add3A_35] : memref<327680xi32, #tpu.memory_space<hbm>> -> memref<128xi32, #tpu.memory_space<hbm>>
      %dma_wait3A_44 = tpu.memref_slice %arg3[%add3A_35] : memref<327680xi32, #tpu.memory_space<hbm>> -> memref<128xi32, #tpu.memory_space<hbm>>
      tpu.wait_dma2 semaphore(%arg16 : memref<!tpu.dma_semaphore, #tpu.memory_space<semaphore_mem>>) src(%dma_wait3A_44 : memref<128xi32, #tpu.memory_space<hbm>>) dst(%arg8 : memref<128xi32, #tpu.memory_space<vmem>>)
      %dma_wait3A_45 = tpu.memref_slice %arg4[%add3A_35] : memref<327680xi32, #tpu.memory_space<hbm>> -> memref<128xi32, #tpu.memory_space<hbm>>
      %dma_wait3A_46 = tpu.memref_slice %arg4[%add3A_35] : memref<327680xi32, #tpu.memory_space<hbm>> -> memref<128xi32, #tpu.memory_space<hbm>>
      tpu.wait_dma2 semaphore(%arg16 : memref<!tpu.dma_semaphore, #tpu.memory_space<semaphore_mem>>) src(%dma_wait3A_46 : memref<128xi32, #tpu.memory_space<hbm>>) dst(%arg9 : memref<128xi32, #tpu.memory_space<vmem>>)
      %dma_start3A_47 = arith.constant 0 : i32
      %dma_start3A_48 = arith.constant 0 : i32
      %dma_start3A_49 = tpu.memref_slice %arg2[%dma_start3A_47, %dma_start3A_48] : memref<10240x128xf32, #tpu.memory_space<hbm>> -> memref<10240x128xf32, #tpu.memory_space<hbm>>
      tpu.enqueue_indirect_dma source(%dma_start3A_49 : memref<10240x128xf32, #tpu.memory_space<hbm>>) target(%arg12 : memref<128x128xf32, #tpu.memory_space<vmem>>) offsets(%arg8 : memref<128xi32, #tpu.memory_space<vmem>>) semaphore(%arg14 : memref<!tpu.dma_semaphore, #tpu.memory_space<semaphore_mem>>)
      "tpu.region"() ({
        %run_scoped3A = tpu.sem_alloc : memref<!tpu.dma_semaphore, #tpu.memory_space<semaphore_mem>>
        %dma_start3A_66 = arith.constant 0 : i32
        %dma_start3A_67 = arith.constant 0 : i32
        %dma_start3A_68 = tpu.memref_slice %arg7[%dma_start3A_66, %dma_start3A_67] : memref<10240x128xf32, #tpu.memory_space<vmem_shared>> -> memref<10240x128xf32, #tpu.memory_space<vmem_shared>>
        tpu.enqueue_indirect_dma source(%arg13 : memref<128x128xf32, #tpu.memory_space<vmem>>) target(%dma_start3A_68 : memref<10240x128xf32, #tpu.memory_space<vmem_shared>>) offsets(%arg11 : memref<128xi32, #tpu.memory_space<vmem>>) semaphore(%run_scoped3A : memref<!tpu.dma_semaphore, #tpu.memory_space<semaphore_mem>>) {add = true}
        %dma_wait3A_69 = arith.constant 0 : i32
        %dma_wait3A_70 = arith.constant 0 : i32
        %dma_wait3A_71 = tpu.memref_slice %arg7[%dma_wait3A_69, %dma_wait3A_70] : memref<10240x128xf32, #tpu.memory_space<vmem_shared>> -> memref<10240x128xf32, #tpu.memory_space<vmem_shared>>
        tpu.wait_indirect_dma semaphore(%run_scoped3A : memref<!tpu.dma_semaphore, #tpu.memory_space<semaphore_mem>>) src(%arg13 : memref<128x128xf32, #tpu.memory_space<vmem>>) dst(%dma_wait3A_71 : memref<10240x128xf32, #tpu.memory_space<vmem_shared>>)
        tpu.yield
      }) : () -> ()
      %add3A_50 = arith.constant 3 : i32
      %add3A_51 = arith.addi %mul3A_27, %add3A_50 : i32
      %mul3A_52 = arith.constant 128 : i32
      %mul3A_53 = arith.muli %add3A_51, %mul3A_52 : i32
      %add3A_54 = arith.addi %mul3A_4, %mul3A_53 : i32
      %dma_start3A_55 = tpu.memref_slice %arg3[%add3A_54] : memref<327680xi32, #tpu.memory_space<hbm>> -> memref<128xi32, #tpu.memory_space<hbm>>
      %dma_start3A_56 = tpu.memref_slice %arg3[%add3A_54] : memref<327680xi32, #tpu.memory_space<hbm>> -> memref<128xi32, #tpu.memory_space<hbm>>
      tpu.enqueue_dma source(%dma_start3A_56 : memref<128xi32, #tpu.memory_space<hbm>>) target(%arg10 : memref<128xi32, #tpu.memory_space<vmem>>) target_semaphore(%arg16 : memref<!tpu.dma_semaphore, #tpu.memory_space<semaphore_mem>>)
      %dma_start3A_57 = tpu.memref_slice %arg4[%add3A_54] : memref<327680xi32, #tpu.memory_space<hbm>> -> memref<128xi32, #tpu.memory_space<hbm>>
      %dma_start3A_58 = tpu.memref_slice %arg4[%add3A_54] : memref<327680xi32, #tpu.memory_space<hbm>> -> memref<128xi32, #tpu.memory_space<hbm>>
      tpu.enqueue_dma source(%dma_start3A_58 : memref<128xi32, #tpu.memory_space<hbm>>) target(%arg11 : memref<128xi32, #tpu.memory_space<vmem>>) target_semaphore(%arg16 : memref<!tpu.dma_semaphore, #tpu.memory_space<semaphore_mem>>)
      %dma_wait3A_59 = arith.constant 0 : i32
      %dma_wait3A_60 = arith.constant 0 : i32
      %dma_wait3A_61 = tpu.memref_slice %arg2[%dma_wait3A_59, %dma_wait3A_60] : memref<10240x128xf32, #tpu.memory_space<hbm>> -> memref<10240x128xf32, #tpu.memory_space<hbm>>
      tpu.wait_indirect_dma semaphore(%arg14 : memref<!tpu.dma_semaphore, #tpu.memory_space<semaphore_mem>>) src(%dma_wait3A_61 : memref<10240x128xf32, #tpu.memory_space<hbm>>) dst(%arg12 : memref<128x128xf32, #tpu.memory_space<vmem>>)
      %dma_wait3A_62 = tpu.memref_slice %arg3[%add3A_54] : memref<327680xi32, #tpu.memory_space<hbm>> -> memref<128xi32, #tpu.memory_space<hbm>>
      %dma_wait3A_63 = tpu.memref_slice %arg3[%add3A_54] : memref<327680xi32, #tpu.memory_space<hbm>> -> memref<128xi32, #tpu.memory_space<hbm>>
      tpu.wait_dma2 semaphore(%arg16 : memref<!tpu.dma_semaphore, #tpu.memory_space<semaphore_mem>>) src(%dma_wait3A_63 : memref<128xi32, #tpu.memory_space<hbm>>) dst(%arg10 : memref<128xi32, #tpu.memory_space<vmem>>)
      %dma_wait3A_64 = tpu.memref_slice %arg4[%add3A_54] : memref<327680xi32, #tpu.memory_space<hbm>> -> memref<128xi32, #tpu.memory_space<hbm>>
      %dma_wait3A_65 = tpu.memref_slice %arg4[%add3A_54] : memref<327680xi32, #tpu.memory_space<hbm>> -> memref<128xi32, #tpu.memory_space<hbm>>
      tpu.wait_dma2 semaphore(%arg16 : memref<!tpu.dma_semaphore, #tpu.memory_space<semaphore_mem>>) src(%dma_wait3A_65 : memref<128xi32, #tpu.memory_space<hbm>>) dst(%arg11 : memref<128xi32, #tpu.memory_space<vmem>>)
    }
    %scan3A_17 = arith.constant 39 : i32
    %dma_start3A_18 = arith.constant 0 : i32
    %dma_start3A_19 = arith.constant 0 : i32
    %dma_start3A_20 = tpu.memref_slice %arg2[%dma_start3A_18, %dma_start3A_19] : memref<10240x128xf32, #tpu.memory_space<hbm>> -> memref<10240x128xf32, #tpu.memory_space<hbm>>
    tpu.enqueue_indirect_dma source(%dma_start3A_20 : memref<10240x128xf32, #tpu.memory_space<hbm>>) target(%arg13 : memref<128x128xf32, #tpu.memory_space<vmem>>) offsets(%arg10 : memref<128xi32, #tpu.memory_space<vmem>>) semaphore(%arg15 : memref<!tpu.dma_semaphore, #tpu.memory_space<semaphore_mem>>)
    "tpu.region"() ({
      %run_scoped3A = tpu.sem_alloc : memref<!tpu.dma_semaphore, #tpu.memory_space<semaphore_mem>>
      %dma_start3A_25 = arith.constant 0 : i32
      %dma_start3A_26 = arith.constant 0 : i32
      %dma_start3A_27 = tpu.memref_slice %arg7[%dma_start3A_25, %dma_start3A_26] : memref<10240x128xf32, #tpu.memory_space<vmem_shared>> -> memref<10240x128xf32, #tpu.memory_space<vmem_shared>>
      tpu.enqueue_indirect_dma source(%arg12 : memref<128x128xf32, #tpu.memory_space<vmem>>) target(%dma_start3A_27 : memref<10240x128xf32, #tpu.memory_space<vmem_shared>>) offsets(%arg9 : memref<128xi32, #tpu.memory_space<vmem>>) semaphore(%run_scoped3A : memref<!tpu.dma_semaphore, #tpu.memory_space<semaphore_mem>>) {add = true}
      %dma_wait3A_28 = arith.constant 0 : i32
      %dma_wait3A_29 = arith.constant 0 : i32
      %dma_wait3A_30 = tpu.memref_slice %arg7[%dma_wait3A_28, %dma_wait3A_29] : memref<10240x128xf32, #tpu.memory_space<vmem_shared>> -> memref<10240x128xf32, #tpu.memory_space<vmem_shared>>
      tpu.wait_indirect_dma semaphore(%run_scoped3A : memref<!tpu.dma_semaphore, #tpu.memory_space<semaphore_mem>>) src(%arg12 : memref<128x128xf32, #tpu.memory_space<vmem>>) dst(%dma_wait3A_30 : memref<10240x128xf32, #tpu.memory_space<vmem_shared>>)
      tpu.yield
    }) : () -> ()
    %dma_wait3A_21 = arith.constant 0 : i32
    %dma_wait3A_22 = arith.constant 0 : i32
    %dma_wait3A_23 = tpu.memref_slice %arg2[%dma_wait3A_21, %dma_wait3A_22] : memref<10240x128xf32, #tpu.memory_space<hbm>> -> memref<10240x128xf32, #tpu.memory_space<hbm>>
    tpu.wait_indirect_dma semaphore(%arg15 : memref<!tpu.dma_semaphore, #tpu.memory_space<semaphore_mem>>) src(%dma_wait3A_23 : memref<10240x128xf32, #tpu.memory_space<hbm>>) dst(%arg13 : memref<128x128xf32, #tpu.memory_space<vmem>>)
    "tpu.region"() ({
      %run_scoped3A = tpu.sem_alloc : memref<!tpu.dma_semaphore, #tpu.memory_space<semaphore_mem>>
      %dma_start3A_25 = arith.constant 0 : i32
      %dma_start3A_26 = arith.constant 0 : i32
      %dma_start3A_27 = tpu.memref_slice %arg7[%dma_start3A_25, %dma_start3A_26] : memref<10240x128xf32, #tpu.memory_space<vmem_shared>> -> memref<10240x128xf32, #tpu.memory_space<vmem_shared>>
      tpu.enqueue_indirect_dma source(%arg13 : memref<128x128xf32, #tpu.memory_space<vmem>>) target(%dma_start3A_27 : memref<10240x128xf32, #tpu.memory_space<vmem_shared>>) offsets(%arg11 : memref<128xi32, #tpu.memory_space<vmem>>) semaphore(%run_scoped3A : memref<!tpu.dma_semaphore, #tpu.memory_space<semaphore_mem>>) {add = true}
      %dma_wait3A_28 = arith.constant 0 : i32
      %dma_wait3A_29 = arith.constant 0 : i32
      %dma_wait3A_30 = tpu.memref_slice %arg7[%dma_wait3A_28, %dma_wait3A_29] : memref<10240x128xf32, #tpu.memory_space<vmem_shared>> -> memref<10240x128xf32, #tpu.memory_space<vmem_shared>>
      tpu.wait_indirect_dma semaphore(%run_scoped3A : memref<!tpu.dma_semaphore, #tpu.memory_space<semaphore_mem>>) src(%arg13 : memref<128x128xf32, #tpu.memory_space<vmem>>) dst(%dma_wait3A_30 : memref<10240x128xf32, #tpu.memory_space<vmem_shared>>)
      tpu.yield
    }) : () -> ()
    %barrier3A_24 = arith.constant 0 : index
    tpu.barrier barrier_id(%barrier3A_24)
    "tpu.region"() ({
      %run_scoped3A = tpu.sem_alloc : memref<!tpu.dma_semaphore, #tpu.memory_space<semaphore_mem>>
      %dma_start3A_25 = arith.constant 0 : i32
      %dma_start3A_26 = tpu.memref_slice %arg6[%arg0, %mul3A_2, %dma_start3A_25] : memref<2x10240x128xf32, #tpu.memory_space<hbm>> -> memref<1x640x128xf32, #tpu.memory_space<hbm>>
      %dma_start3A_27 = tpu.memref_squeeze %dma_start3A_26 : memref<1x640x128xf32, #tpu.memory_space<hbm>> -> memref<640x128xf32, #tpu.memory_space<hbm>>
      %dma_start3A_28 = arith.constant 0 : i32
      %dma_start3A_29 = tpu.memref_slice %arg7[%mul3A_2, %dma_start3A_28] : memref<10240x128xf32, #tpu.memory_space<vmem_shared>> -> memref<640x128xf32, #tpu.memory_space<vmem_shared>>
      tpu.enqueue_dma source(%dma_start3A_29 : memref<640x128xf32, #tpu.memory_space<vmem_shared>>) target(%dma_start3A_27 : memref<640x128xf32, #tpu.memory_space<hbm>>) target_semaphore(%run_scoped3A : memref<!tpu.dma_semaphore, #tpu.memory_space<semaphore_mem>>)
      %dma_wait3A_30 = arith.constant 0 : i32
      %dma_wait3A_31 = tpu.memref_slice %arg6[%arg0, %mul3A_2, %dma_wait3A_30] : memref<2x10240x128xf32, #tpu.memory_space<hbm>> -> memref<1x640x128xf32, #tpu.memory_space<hbm>>
      %dma_wait3A_32 = tpu.memref_squeeze %dma_wait3A_31 : memref<1x640x128xf32, #tpu.memory_space<hbm>> -> memref<640x128xf32, #tpu.memory_space<hbm>>
      %dma_wait3A_33 = arith.constant 0 : i32
      %dma_wait3A_34 = tpu.memref_slice %arg7[%mul3A_2, %dma_wait3A_33] : memref<10240x128xf32, #tpu.memory_space<vmem_shared>> -> memref<640x128xf32, #tpu.memory_space<vmem_shared>>
      tpu.wait_dma2 semaphore(%run_scoped3A : memref<!tpu.dma_semaphore, #tpu.memory_space<semaphore_mem>>) src(%dma_wait3A_34 : memref<640x128xf32, #tpu.memory_space<vmem_shared>>) dst(%dma_wait3A_32 : memref<640x128xf32, #tpu.memory_space<hbm>>)
      tpu.yield
    }) : () -> ()
    return
  }
}

#map = affine_map<(d0, d1) -> (0, 0)>
#map1 = affine_map<(d0, d1) -> (0)>
#map2 = affine_map<(d0, d1) -> (0, 0, 0)>
module attributes {stable_mosaic.version = 14 : i64} {
  func.func @_edge_kernel(%arg0: i32, %arg1: i32, %arg2: memref<10240x128xf32, #tpu.memory_space<hbm>>, %arg3: memref<327680xi32, #tpu.memory_space<hbm>>, %arg4: memref<327680xi32, #tpu.memory_space<hbm>>, %arg5: memref<10240x128xf32, #tpu.memory_space<hbm>>, %arg6: memref<2x10240x128xf32, #tpu.memory_space<hbm>>, %arg7: memref<10240x128xf32, #tpu.memory_space<vmem_shared>>, %arg8: memref<128xi32, #tpu.memory_space<vmem>>, %arg9: memref<128xi32, #tpu.memory_space<vmem>>, %arg10: memref<128xi32, #tpu.memory_space<vmem>>, %arg11: memref<128xi32, #tpu.memory_space<vmem>>, %arg12: memref<128x128xf32, #tpu.memory_space<vmem>>, %arg13: memref<128x128xf32, #tpu.memory_space<vmem>>, %arg14: memref<!tpu.dma_semaphore, #tpu.memory_space<semaphore_mem>>, %arg15: memref<!tpu.dma_semaphore, #tpu.memory_space<semaphore_mem>>, %arg16: memref<!tpu.dma_semaphore, #tpu.memory_space<semaphore_mem>>) attributes {dimension_semantics = [#tpu.dimension_semantics<core_parallel>, #tpu.dimension_semantics<subcore_parallel>], iteration_bounds = array<i64: 2, 16>, scalar_prefetch = 0 : i64, scratch_operands = 10 : i64, tpu.core_type = #tpu.core_type<sc_vector_subcore>, window_params = [{transform_indices = #map}, {transform_indices = #map1}, {transform_indices = #map1}, {transform_indices = #map}, {transform_indices = #map2}]} {
    %mul3A = arith.constant 16 : i32
    %mul3A_0 = arith.muli %arg0, %mul3A : i32
    %add3A = arith.addi %mul3A_0, %arg1 : i32
    %mul3A_1 = arith.constant 640 : i32
    %mul3A_2 = arith.muli %arg1, %mul3A_1 : i32
    "tpu.region"() ({
      %run_scoped3A = tpu.sem_alloc : memref<!tpu.dma_semaphore, #tpu.memory_space<semaphore_mem>>
      %dma_start3A_25 = arith.constant 0 : i32
      %dma_start3A_26 = tpu.memref_slice %arg7[%mul3A_2, %dma_start3A_25] : memref<10240x128xf32, #tpu.memory_space<vmem_shared>> -> memref<640x128xf32, #tpu.memory_space<vmem_shared>>
      %dma_start3A_27 = arith.constant 0 : i32
      %dma_start3A_28 = tpu.memref_slice %arg5[%mul3A_2, %dma_start3A_27] : memref<10240x128xf32, #tpu.memory_space<hbm>> -> memref<640x128xf32, #tpu.memory_space<hbm>>
      tpu.enqueue_dma source(%dma_start3A_28 : memref<640x128xf32, #tpu.memory_space<hbm>>) target(%dma_start3A_26 : memref<640x128xf32, #tpu.memory_space<vmem_shared>>) target_semaphore(%run_scoped3A : memref<!tpu.dma_semaphore, #tpu.memory_space<semaphore_mem>>)
      %dma_wait3A_29 = arith.constant 0 : i32
      %dma_wait3A_30 = tpu.memref_slice %arg7[%mul3A_2, %dma_wait3A_29] : memref<10240x128xf32, #tpu.memory_space<vmem_shared>> -> memref<640x128xf32, #tpu.memory_space<vmem_shared>>
      %dma_wait3A_31 = arith.constant 0 : i32
      %dma_wait3A_32 = tpu.memref_slice %arg5[%mul3A_2, %dma_wait3A_31] : memref<10240x128xf32, #tpu.memory_space<hbm>> -> memref<640x128xf32, #tpu.memory_space<hbm>>
      tpu.wait_dma2 semaphore(%run_scoped3A : memref<!tpu.dma_semaphore, #tpu.memory_space<semaphore_mem>>) src(%dma_wait3A_32 : memref<640x128xf32, #tpu.memory_space<hbm>>) dst(%dma_wait3A_30 : memref<640x128xf32, #tpu.memory_space<vmem_shared>>)
      tpu.yield
    }) : () -> ()
    %barrier3A = arith.constant 0 : index
    tpu.barrier barrier_id(%barrier3A)
    %mul3A_3 = arith.constant 10240 : i32
    %mul3A_4 = arith.muli %add3A, %mul3A_3 : i32
    "tpu.region"() ({
      %run_scoped3A = tpu.sem_alloc : memref<!tpu.dma_semaphore, #tpu.memory_space<semaphore_mem>>
      %dma_start3A_25 = tpu.memref_slice %arg3[%mul3A_4] : memref<327680xi32, #tpu.memory_space<hbm>> -> memref<128xi32, #tpu.memory_space<hbm>>
      %dma_start3A_26 = tpu.memref_slice %arg3[%mul3A_4] : memref<327680xi32, #tpu.memory_space<hbm>> -> memref<128xi32, #tpu.memory_space<hbm>>
      tpu.enqueue_dma source(%dma_start3A_26 : memref<128xi32, #tpu.memory_space<hbm>>) target(%arg8 : memref<128xi32, #tpu.memory_space<vmem>>) target_semaphore(%run_scoped3A : memref<!tpu.dma_semaphore, #tpu.memory_space<semaphore_mem>>)
      %dma_wait3A_27 = tpu.memref_slice %arg3[%mul3A_4] : memref<327680xi32, #tpu.memory_space<hbm>> -> memref<128xi32, #tpu.memory_space<hbm>>
      %dma_wait3A_28 = tpu.memref_slice %arg3[%mul3A_4] : memref<327680xi32, #tpu.memory_space<hbm>> -> memref<128xi32, #tpu.memory_space<hbm>>
      tpu.wait_dma2 semaphore(%run_scoped3A : memref<!tpu.dma_semaphore, #tpu.memory_space<semaphore_mem>>) src(%dma_wait3A_28 : memref<128xi32, #tpu.memory_space<hbm>>) dst(%arg8 : memref<128xi32, #tpu.memory_space<vmem>>)
      tpu.yield
    }) : () -> ()
    "tpu.region"() ({
      %run_scoped3A = tpu.sem_alloc : memref<!tpu.dma_semaphore, #tpu.memory_space<semaphore_mem>>
      %dma_start3A_25 = tpu.memref_slice %arg4[%mul3A_4] : memref<327680xi32, #tpu.memory_space<hbm>> -> memref<128xi32, #tpu.memory_space<hbm>>
      %dma_start3A_26 = tpu.memref_slice %arg4[%mul3A_4] : memref<327680xi32, #tpu.memory_space<hbm>> -> memref<128xi32, #tpu.memory_space<hbm>>
      tpu.enqueue_dma source(%dma_start3A_26 : memref<128xi32, #tpu.memory_space<hbm>>) target(%arg9 : memref<128xi32, #tpu.memory_space<vmem>>) target_semaphore(%run_scoped3A : memref<!tpu.dma_semaphore, #tpu.memory_space<semaphore_mem>>)
      %dma_wait3A_27 = tpu.memref_slice %arg4[%mul3A_4] : memref<327680xi32, #tpu.memory_space<hbm>> -> memref<128xi32, #tpu.memory_space<hbm>>
      %dma_wait3A_28 = tpu.memref_slice %arg4[%mul3A_4] : memref<327680xi32, #tpu.memory_space<hbm>> -> memref<128xi32, #tpu.memory_space<hbm>>
      tpu.wait_dma2 semaphore(%run_scoped3A : memref<!tpu.dma_semaphore, #tpu.memory_space<semaphore_mem>>) src(%dma_wait3A_28 : memref<128xi32, #tpu.memory_space<hbm>>) dst(%arg9 : memref<128xi32, #tpu.memory_space<vmem>>)
      tpu.yield
    }) : () -> ()
    %dma_start3A = arith.constant 0 : i32
    %dma_start3A_5 = arith.constant 0 : i32
    %dma_start3A_6 = tpu.memref_slice %arg2[%dma_start3A, %dma_start3A_5] : memref<10240x128xf32, #tpu.memory_space<hbm>> -> memref<10240x128xf32, #tpu.memory_space<hbm>>
    tpu.enqueue_indirect_dma source(%dma_start3A_6 : memref<10240x128xf32, #tpu.memory_space<hbm>>) target(%arg12 : memref<128x128xf32, #tpu.memory_space<vmem>>) offsets(%arg8 : memref<128xi32, #tpu.memory_space<vmem>>) semaphore(%arg14 : memref<!tpu.dma_semaphore, #tpu.memory_space<semaphore_mem>>)
    %add3A_7 = arith.constant 128 : i32
    %add3A_8 = arith.addi %mul3A_4, %add3A_7 : i32
    "tpu.region"() ({
      %run_scoped3A = tpu.sem_alloc : memref<!tpu.dma_semaphore, #tpu.memory_space<semaphore_mem>>
      %dma_start3A_25 = tpu.memref_slice %arg3[%add3A_8] : memref<327680xi32, #tpu.memory_space<hbm>> -> memref<128xi32, #tpu.memory_space<hbm>>
      %dma_start3A_26 = tpu.memref_slice %arg3[%add3A_8] : memref<327680xi32, #tpu.memory_space<hbm>> -> memref<128xi32, #tpu.memory_space<hbm>>
      tpu.enqueue_dma source(%dma_start3A_26 : memref<128xi32, #tpu.memory_space<hbm>>) target(%arg10 : memref<128xi32, #tpu.memory_space<vmem>>) target_semaphore(%run_scoped3A : memref<!tpu.dma_semaphore, #tpu.memory_space<semaphore_mem>>)
      %dma_wait3A_27 = tpu.memref_slice %arg3[%add3A_8] : memref<327680xi32, #tpu.memory_space<hbm>> -> memref<128xi32, #tpu.memory_space<hbm>>
      %dma_wait3A_28 = tpu.memref_slice %arg3[%add3A_8] : memref<327680xi32, #tpu.memory_space<hbm>> -> memref<128xi32, #tpu.memory_space<hbm>>
      tpu.wait_dma2 semaphore(%run_scoped3A : memref<!tpu.dma_semaphore, #tpu.memory_space<semaphore_mem>>) src(%dma_wait3A_28 : memref<128xi32, #tpu.memory_space<hbm>>) dst(%arg10 : memref<128xi32, #tpu.memory_space<vmem>>)
      tpu.yield
    }) : () -> ()
    %add3A_9 = arith.constant 128 : i32
    %add3A_10 = arith.addi %mul3A_4, %add3A_9 : i32
    "tpu.region"() ({
      %run_scoped3A = tpu.sem_alloc : memref<!tpu.dma_semaphore, #tpu.memory_space<semaphore_mem>>
      %dma_start3A_25 = tpu.memref_slice %arg4[%add3A_10] : memref<327680xi32, #tpu.memory_space<hbm>> -> memref<128xi32, #tpu.memory_space<hbm>>
      %dma_start3A_26 = tpu.memref_slice %arg4[%add3A_10] : memref<327680xi32, #tpu.memory_space<hbm>> -> memref<128xi32, #tpu.memory_space<hbm>>
      tpu.enqueue_dma source(%dma_start3A_26 : memref<128xi32, #tpu.memory_space<hbm>>) target(%arg11 : memref<128xi32, #tpu.memory_space<vmem>>) target_semaphore(%run_scoped3A : memref<!tpu.dma_semaphore, #tpu.memory_space<semaphore_mem>>)
      %dma_wait3A_27 = tpu.memref_slice %arg4[%add3A_10] : memref<327680xi32, #tpu.memory_space<hbm>> -> memref<128xi32, #tpu.memory_space<hbm>>
      %dma_wait3A_28 = tpu.memref_slice %arg4[%add3A_10] : memref<327680xi32, #tpu.memory_space<hbm>> -> memref<128xi32, #tpu.memory_space<hbm>>
      tpu.wait_dma2 semaphore(%run_scoped3A : memref<!tpu.dma_semaphore, #tpu.memory_space<semaphore_mem>>) src(%dma_wait3A_28 : memref<128xi32, #tpu.memory_space<hbm>>) dst(%arg11 : memref<128xi32, #tpu.memory_space<vmem>>)
      tpu.yield
    }) : () -> ()
    %dma_wait3A = arith.constant 0 : i32
    %dma_wait3A_11 = arith.constant 0 : i32
    %dma_wait3A_12 = tpu.memref_slice %arg2[%dma_wait3A, %dma_wait3A_11] : memref<10240x128xf32, #tpu.memory_space<hbm>> -> memref<10240x128xf32, #tpu.memory_space<hbm>>
    tpu.wait_indirect_dma semaphore(%arg14 : memref<!tpu.dma_semaphore, #tpu.memory_space<semaphore_mem>>) src(%dma_wait3A_12 : memref<10240x128xf32, #tpu.memory_space<hbm>>) dst(%arg12 : memref<128x128xf32, #tpu.memory_space<vmem>>)
    %scan3A = arith.constant 0 : i32
    %scan3A_13 = arith.constant 0 : i32
    %scan3A_14 = arith.constant 39 : i32
    %scan3A_15 = arith.addi %scan3A_13, %scan3A_14 : i32
    %scan3A_16 = arith.constant 1 : i32
    scf.for %scan3A_25 = %scan3A_13 to %scan3A_15 step %scan3A_16  : i32 {
      %mul3A_26 = arith.constant 2 : i32
      %mul3A_27 = arith.muli %mul3A_26, %scan3A_25 : i32
      %dma_start3A_28 = arith.constant 0 : i32
      %dma_start3A_29 = arith.constant 0 : i32
      %dma_start3A_30 = tpu.memref_slice %arg2[%dma_start3A_28, %dma_start3A_29] : memref<10240x128xf32, #tpu.memory_space<hbm>> -> memref<10240x128xf32, #tpu.memory_space<hbm>>
      tpu.enqueue_indirect_dma source(%dma_start3A_30 : memref<10240x128xf32, #tpu.memory_space<hbm>>) target(%arg13 : memref<128x128xf32, #tpu.memory_space<vmem>>) offsets(%arg10 : memref<128xi32, #tpu.memory_space<vmem>>) semaphore(%arg15 : memref<!tpu.dma_semaphore, #tpu.memory_space<semaphore_mem>>)
      "tpu.region"() ({
        %run_scoped3A = tpu.sem_alloc : memref<!tpu.dma_semaphore, #tpu.memory_space<semaphore_mem>>
        %dma_start3A_66 = arith.constant 0 : i32
        %dma_start3A_67 = arith.constant 0 : i32
        %dma_start3A_68 = tpu.memref_slice %arg7[%dma_start3A_66, %dma_start3A_67] : memref<10240x128xf32, #tpu.memory_space<vmem_shared>> -> memref<10240x128xf32, #tpu.memory_space<vmem_shared>>
        tpu.enqueue_indirect_dma source(%arg12 : memref<128x128xf32, #tpu.memory_space<vmem>>) target(%dma_start3A_68 : memref<10240x128xf32, #tpu.memory_space<vmem_shared>>) offsets(%arg9 : memref<128xi32, #tpu.memory_space<vmem>>) semaphore(%run_scoped3A : memref<!tpu.dma_semaphore, #tpu.memory_space<semaphore_mem>>) {add = true}
        %dma_wait3A_69 = arith.constant 0 : i32
        %dma_wait3A_70 = arith.constant 0 : i32
        %dma_wait3A_71 = tpu.memref_slice %arg7[%dma_wait3A_69, %dma_wait3A_70] : memref<10240x128xf32, #tpu.memory_space<vmem_shared>> -> memref<10240x128xf32, #tpu.memory_space<vmem_shared>>
        tpu.wait_indirect_dma semaphore(%run_scoped3A : memref<!tpu.dma_semaphore, #tpu.memory_space<semaphore_mem>>) src(%arg12 : memref<128x128xf32, #tpu.memory_space<vmem>>) dst(%dma_wait3A_71 : memref<10240x128xf32, #tpu.memory_space<vmem_shared>>)
        tpu.yield
      }) : () -> ()
      %add3A_31 = arith.constant 2 : i32
      %add3A_32 = arith.addi %mul3A_27, %add3A_31 : i32
      %mul3A_33 = arith.constant 128 : i32
      %mul3A_34 = arith.muli %add3A_32, %mul3A_33 : i32
      %add3A_35 = arith.addi %mul3A_4, %mul3A_34 : i32
      %dma_start3A_36 = tpu.memref_slice %arg3[%add3A_35] : memref<327680xi32, #tpu.memory_space<hbm>> -> memref<128xi32, #tpu.memory_space<hbm>>
      %dma_start3A_37 = tpu.memref_slice %arg3[%add3A_35] : memref<327680xi32, #tpu.memory_space<hbm>> -> memref<128xi32, #tpu.memory_space<hbm>>
      tpu.enqueue_dma source(%dma_start3A_37 : memref<128xi32, #tpu.memory_space<hbm>>) target(%arg8 : memref<128xi32, #tpu.memory_space<vmem>>) target_semaphore(%arg16 : memref<!tpu.dma_semaphore, #tpu.memory_space<semaphore_mem>>)
      %dma_start3A_38 = tpu.memref_slice %arg4[%add3A_35] : memref<327680xi32, #tpu.memory_space<hbm>> -> memref<128xi32, #tpu.memory_space<hbm>>
      %dma_start3A_39 = tpu.memref_slice %arg4[%add3A_35] : memref<327680xi32, #tpu.memory_space<hbm>> -> memref<128xi32, #tpu.memory_space<hbm>>
      tpu.enqueue_dma source(%dma_start3A_39 : memref<128xi32, #tpu.memory_space<hbm>>) target(%arg9 : memref<128xi32, #tpu.memory_space<vmem>>) target_semaphore(%arg16 : memref<!tpu.dma_semaphore, #tpu.memory_space<semaphore_mem>>)
      %dma_wait3A_40 = arith.constant 0 : i32
      %dma_wait3A_41 = arith.constant 0 : i32
      %dma_wait3A_42 = tpu.memref_slice %arg2[%dma_wait3A_40, %dma_wait3A_41] : memref<10240x128xf32, #tpu.memory_space<hbm>> -> memref<10240x128xf32, #tpu.memory_space<hbm>>
      tpu.wait_indirect_dma semaphore(%arg15 : memref<!tpu.dma_semaphore, #tpu.memory_space<semaphore_mem>>) src(%dma_wait3A_42 : memref<10240x128xf32, #tpu.memory_space<hbm>>) dst(%arg13 : memref<128x128xf32, #tpu.memory_space<vmem>>)
      %dma_wait3A_43 = tpu.memref_slice %arg3[%add3A_35] : memref<327680xi32, #tpu.memory_space<hbm>> -> memref<128xi32, #tpu.memory_space<hbm>>
      %dma_wait3A_44 = tpu.memref_slice %arg3[%add3A_35] : memref<327680xi32, #tpu.memory_space<hbm>> -> memref<128xi32, #tpu.memory_space<hbm>>
      tpu.wait_dma2 semaphore(%arg16 : memref<!tpu.dma_semaphore, #tpu.memory_space<semaphore_mem>>) src(%dma_wait3A_44 : memref<128xi32, #tpu.memory_space<hbm>>) dst(%arg8 : memref<128xi32, #tpu.memory_space<vmem>>)
      %dma_wait3A_45 = tpu.memref_slice %arg4[%add3A_35] : memref<327680xi32, #tpu.memory_space<hbm>> -> memref<128xi32, #tpu.memory_space<hbm>>
      %dma_wait3A_46 = tpu.memref_slice %arg4[%add3A_35] : memref<327680xi32, #tpu.memory_space<hbm>> -> memref<128xi32, #tpu.memory_space<hbm>>
      tpu.wait_dma2 semaphore(%arg16 : memref<!tpu.dma_semaphore, #tpu.memory_space<semaphore_mem>>) src(%dma_wait3A_46 : memref<128xi32, #tpu.memory_space<hbm>>) dst(%arg9 : memref<128xi32, #tpu.memory_space<vmem>>)
      %dma_start3A_47 = arith.constant 0 : i32
      %dma_start3A_48 = arith.constant 0 : i32
      %dma_start3A_49 = tpu.memref_slice %arg2[%dma_start3A_47, %dma_start3A_48] : memref<10240x128xf32, #tpu.memory_space<hbm>> -> memref<10240x128xf32, #tpu.memory_space<hbm>>
      tpu.enqueue_indirect_dma source(%dma_start3A_49 : memref<10240x128xf32, #tpu.memory_space<hbm>>) target(%arg12 : memref<128x128xf32, #tpu.memory_space<vmem>>) offsets(%arg8 : memref<128xi32, #tpu.memory_space<vmem>>) semaphore(%arg14 : memref<!tpu.dma_semaphore, #tpu.memory_space<semaphore_mem>>)
      "tpu.region"() ({
        %run_scoped3A = tpu.sem_alloc : memref<!tpu.dma_semaphore, #tpu.memory_space<semaphore_mem>>
        %dma_start3A_66 = arith.constant 0 : i32
        %dma_start3A_67 = arith.constant 0 : i32
        %dma_start3A_68 = tpu.memref_slice %arg7[%dma_start3A_66, %dma_start3A_67] : memref<10240x128xf32, #tpu.memory_space<vmem_shared>> -> memref<10240x128xf32, #tpu.memory_space<vmem_shared>>
        tpu.enqueue_indirect_dma source(%arg13 : memref<128x128xf32, #tpu.memory_space<vmem>>) target(%dma_start3A_68 : memref<10240x128xf32, #tpu.memory_space<vmem_shared>>) offsets(%arg11 : memref<128xi32, #tpu.memory_space<vmem>>) semaphore(%run_scoped3A : memref<!tpu.dma_semaphore, #tpu.memory_space<semaphore_mem>>) {add = true}
        %dma_wait3A_69 = arith.constant 0 : i32
        %dma_wait3A_70 = arith.constant 0 : i32
        %dma_wait3A_71 = tpu.memref_slice %arg7[%dma_wait3A_69, %dma_wait3A_70] : memref<10240x128xf32, #tpu.memory_space<vmem_shared>> -> memref<10240x128xf32, #tpu.memory_space<vmem_shared>>
        tpu.wait_indirect_dma semaphore(%run_scoped3A : memref<!tpu.dma_semaphore, #tpu.memory_space<semaphore_mem>>) src(%arg13 : memref<128x128xf32, #tpu.memory_space<vmem>>) dst(%dma_wait3A_71 : memref<10240x128xf32, #tpu.memory_space<vmem_shared>>)
        tpu.yield
      }) : () -> ()
      %add3A_50 = arith.constant 3 : i32
      %add3A_51 = arith.addi %mul3A_27, %add3A_50 : i32
      %mul3A_52 = arith.constant 128 : i32
      %mul3A_53 = arith.muli %add3A_51, %mul3A_52 : i32
      %add3A_54 = arith.addi %mul3A_4, %mul3A_53 : i32
      %dma_start3A_55 = tpu.memref_slice %arg3[%add3A_54] : memref<327680xi32, #tpu.memory_space<hbm>> -> memref<128xi32, #tpu.memory_space<hbm>>
      %dma_start3A_56 = tpu.memref_slice %arg3[%add3A_54] : memref<327680xi32, #tpu.memory_space<hbm>> -> memref<128xi32, #tpu.memory_space<hbm>>
      tpu.enqueue_dma source(%dma_start3A_56 : memref<128xi32, #tpu.memory_space<hbm>>) target(%arg10 : memref<128xi32, #tpu.memory_space<vmem>>) target_semaphore(%arg16 : memref<!tpu.dma_semaphore, #tpu.memory_space<semaphore_mem>>)
      %dma_start3A_57 = tpu.memref_slice %arg4[%add3A_54] : memref<327680xi32, #tpu.memory_space<hbm>> -> memref<128xi32, #tpu.memory_space<hbm>>
      %dma_start3A_58 = tpu.memref_slice %arg4[%add3A_54] : memref<327680xi32, #tpu.memory_space<hbm>> -> memref<128xi32, #tpu.memory_space<hbm>>
      tpu.enqueue_dma source(%dma_start3A_58 : memref<128xi32, #tpu.memory_space<hbm>>) target(%arg11 : memref<128xi32, #tpu.memory_space<vmem>>) target_semaphore(%arg16 : memref<!tpu.dma_semaphore, #tpu.memory_space<semaphore_mem>>)
      %dma_wait3A_59 = arith.constant 0 : i32
      %dma_wait3A_60 = arith.constant 0 : i32
      %dma_wait3A_61 = tpu.memref_slice %arg2[%dma_wait3A_59, %dma_wait3A_60] : memref<10240x128xf32, #tpu.memory_space<hbm>> -> memref<10240x128xf32, #tpu.memory_space<hbm>>
      tpu.wait_indirect_dma semaphore(%arg14 : memref<!tpu.dma_semaphore, #tpu.memory_space<semaphore_mem>>) src(%dma_wait3A_61 : memref<10240x128xf32, #tpu.memory_space<hbm>>) dst(%arg12 : memref<128x128xf32, #tpu.memory_space<vmem>>)
      %dma_wait3A_62 = tpu.memref_slice %arg3[%add3A_54] : memref<327680xi32, #tpu.memory_space<hbm>> -> memref<128xi32, #tpu.memory_space<hbm>>
      %dma_wait3A_63 = tpu.memref_slice %arg3[%add3A_54] : memref<327680xi32, #tpu.memory_space<hbm>> -> memref<128xi32, #tpu.memory_space<hbm>>
      tpu.wait_dma2 semaphore(%arg16 : memref<!tpu.dma_semaphore, #tpu.memory_space<semaphore_mem>>) src(%dma_wait3A_63 : memref<128xi32, #tpu.memory_space<hbm>>) dst(%arg10 : memref<128xi32, #tpu.memory_space<vmem>>)
      %dma_wait3A_64 = tpu.memref_slice %arg4[%add3A_54] : memref<327680xi32, #tpu.memory_space<hbm>> -> memref<128xi32, #tpu.memory_space<hbm>>
      %dma_wait3A_65 = tpu.memref_slice %arg4[%add3A_54] : memref<327680xi32, #tpu.memory_space<hbm>> -> memref<128xi32, #tpu.memory_space<hbm>>
      tpu.wait_dma2 semaphore(%arg16 : memref<!tpu.dma_semaphore, #tpu.memory_space<semaphore_mem>>) src(%dma_wait3A_65 : memref<128xi32, #tpu.memory_space<hbm>>) dst(%arg11 : memref<128xi32, #tpu.memory_space<vmem>>)
    }
    %scan3A_17 = arith.constant 39 : i32
    %dma_start3A_18 = arith.constant 0 : i32
    %dma_start3A_19 = arith.constant 0 : i32
    %dma_start3A_20 = tpu.memref_slice %arg2[%dma_start3A_18, %dma_start3A_19] : memref<10240x128xf32, #tpu.memory_space<hbm>> -> memref<10240x128xf32, #tpu.memory_space<hbm>>
    tpu.enqueue_indirect_dma source(%dma_start3A_20 : memref<10240x128xf32, #tpu.memory_space<hbm>>) target(%arg13 : memref<128x128xf32, #tpu.memory_space<vmem>>) offsets(%arg10 : memref<128xi32, #tpu.memory_space<vmem>>) semaphore(%arg15 : memref<!tpu.dma_semaphore, #tpu.memory_space<semaphore_mem>>)
    "tpu.region"() ({
      %run_scoped3A = tpu.sem_alloc : memref<!tpu.dma_semaphore, #tpu.memory_space<semaphore_mem>>
      %dma_start3A_25 = arith.constant 0 : i32
      %dma_start3A_26 = arith.constant 0 : i32
      %dma_start3A_27 = tpu.memref_slice %arg7[%dma_start3A_25, %dma_start3A_26] : memref<10240x128xf32, #tpu.memory_space<vmem_shared>> -> memref<10240x128xf32, #tpu.memory_space<vmem_shared>>
      tpu.enqueue_indirect_dma source(%arg12 : memref<128x128xf32, #tpu.memory_space<vmem>>) target(%dma_start3A_27 : memref<10240x128xf32, #tpu.memory_space<vmem_shared>>) offsets(%arg9 : memref<128xi32, #tpu.memory_space<vmem>>) semaphore(%run_scoped3A : memref<!tpu.dma_semaphore, #tpu.memory_space<semaphore_mem>>) {add = true}
      %dma_wait3A_28 = arith.constant 0 : i32
      %dma_wait3A_29 = arith.constant 0 : i32
      %dma_wait3A_30 = tpu.memref_slice %arg7[%dma_wait3A_28, %dma_wait3A_29] : memref<10240x128xf32, #tpu.memory_space<vmem_shared>> -> memref<10240x128xf32, #tpu.memory_space<vmem_shared>>
      tpu.wait_indirect_dma semaphore(%run_scoped3A : memref<!tpu.dma_semaphore, #tpu.memory_space<semaphore_mem>>) src(%arg12 : memref<128x128xf32, #tpu.memory_space<vmem>>) dst(%dma_wait3A_30 : memref<10240x128xf32, #tpu.memory_space<vmem_shared>>)
      tpu.yield
    }) : () -> ()
    %dma_wait3A_21 = arith.constant 0 : i32
    %dma_wait3A_22 = arith.constant 0 : i32
    %dma_wait3A_23 = tpu.memref_slice %arg2[%dma_wait3A_21, %dma_wait3A_22] : memref<10240x128xf32, #tpu.memory_space<hbm>> -> memref<10240x128xf32, #tpu.memory_space<hbm>>
    tpu.wait_indirect_dma semaphore(%arg15 : memref<!tpu.dma_semaphore, #tpu.memory_space<semaphore_mem>>) src(%dma_wait3A_23 : memref<10240x128xf32, #tpu.memory_space<hbm>>) dst(%arg13 : memref<128x128xf32, #tpu.memory_space<vmem>>)
    "tpu.region"() ({
      %run_scoped3A = tpu.sem_alloc : memref<!tpu.dma_semaphore, #tpu.memory_space<semaphore_mem>>
      %dma_start3A_25 = arith.constant 0 : i32
      %dma_start3A_26 = arith.constant 0 : i32
      %dma_start3A_27 = tpu.memref_slice %arg7[%dma_start3A_25, %dma_start3A_26] : memref<10240x128xf32, #tpu.memory_space<vmem_shared>> -> memref<10240x128xf32, #tpu.memory_space<vmem_shared>>
      tpu.enqueue_indirect_dma source(%arg13 : memref<128x128xf32, #tpu.memory_space<vmem>>) target(%dma_start3A_27 : memref<10240x128xf32, #tpu.memory_space<vmem_shared>>) offsets(%arg11 : memref<128xi32, #tpu.memory_space<vmem>>) semaphore(%run_scoped3A : memref<!tpu.dma_semaphore, #tpu.memory_space<semaphore_mem>>) {add = true}
      %dma_wait3A_28 = arith.constant 0 : i32
      %dma_wait3A_29 = arith.constant 0 : i32
      %dma_wait3A_30 = tpu.memref_slice %arg7[%dma_wait3A_28, %dma_wait3A_29] : memref<10240x128xf32, #tpu.memory_space<vmem_shared>> -> memref<10240x128xf32, #tpu.memory_space<vmem_shared>>
      tpu.wait_indirect_dma semaphore(%run_scoped3A : memref<!tpu.dma_semaphore, #tpu.memory_space<semaphore_mem>>) src(%arg13 : memref<128x128xf32, #tpu.memory_space<vmem>>) dst(%dma_wait3A_30 : memref<10240x128xf32, #tpu.memory_space<vmem_shared>>)
      tpu.yield
    }) : () -> ()
    %barrier3A_24 = arith.constant 0 : index
    tpu.barrier barrier_id(%barrier3A_24)
    "tpu.region"() ({
      %run_scoped3A = tpu.sem_alloc : memref<!tpu.dma_semaphore, #tpu.memory_space<semaphore_mem>>
      %dma_start3A_25 = arith.constant 0 : i32
      %dma_start3A_26 = tpu.memref_slice %arg6[%arg0, %mul3A_2, %dma_start3A_25] : memref<2x10240x128xf32, #tpu.memory_space<hbm>> -> memref<1x640x128xf32, #tpu.memory_space<hbm>>
      %dma_start3A_27 = tpu.memref_squeeze %dma_start3A_26 : memref<1x640x128xf32, #tpu.memory_space<hbm>> -> memref<640x128xf32, #tpu.memory_space<hbm>>
      %dma_start3A_28 = arith.constant 0 : i32
      %dma_start3A_29 = tpu.memref_slice %arg7[%mul3A_2, %dma_start3A_28] : memref<10240x128xf32, #tpu.memory_space<vmem_shared>> -> memref<640x128xf32, #tpu.memory_space<vmem_shared>>
      tpu.enqueue_dma source(%dma_start3A_29 : memref<640x128xf32, #tpu.memory_space<vmem_shared>>) target(%dma_start3A_27 : memref<640x128xf32, #tpu.memory_space<hbm>>) target_semaphore(%run_scoped3A : memref<!tpu.dma_semaphore, #tpu.memory_space<semaphore_mem>>)
      %dma_wait3A_30 = arith.constant 0 : i32
      %dma_wait3A_31 = tpu.memref_slice %arg6[%arg0, %mul3A_2, %dma_wait3A_30] : memref<2x10240x128xf32, #tpu.memory_space<hbm>> -> memref<1x640x128xf32, #tpu.memory_space<hbm>>
      %dma_wait3A_32 = tpu.memref_squeeze %dma_wait3A_31 : memref<1x640x128xf32, #tpu.memory_space<hbm>> -> memref<640x128xf32, #tpu.memory_space<hbm>>
      %dma_wait3A_33 = arith.constant 0 : i32
      %dma_wait3A_34 = tpu.memref_slice %arg7[%mul3A_2, %dma_wait3A_33] : memref<10240x128xf32, #tpu.memory_space<vmem_shared>> -> memref<640x128xf32, #tpu.memory_space<vmem_shared>>
      tpu.wait_dma2 semaphore(%run_scoped3A : memref<!tpu.dma_semaphore, #tpu.memory_space<semaphore_mem>>) src(%dma_wait3A_34 : memref<640x128xf32, #tpu.memory_space<vmem_shared>>) dst(%dma_wait3A_32 : memref<640x128xf32, #tpu.memory_space<hbm>>)
      tpu.yield
    }) : () -> ()
    return
  }
}

module attributes {stable_mosaic.version = 14 : i64} {
  func.func @_prep_body(%arg0: memref<32x10000xf32, #tpu.memory_space<vmem>>, %arg1: memref<10000x128xf32, #tpu.memory_space<vmem>>, %arg2: memref<128x128xf32, #tpu.memory_space<vmem>>, %arg3: memref<10000x1xf32, #tpu.memory_space<vmem>>, %arg4: memref<10240x128xf32, #tpu.memory_space<vmem>>) attributes {dimension_semantics = [], scalar_prefetch = 0 : i64, scratch_operands = 0 : i64, tpu.core_type = #tpu.core_type<tc>} {
    %broadcast_in_dim3A = arith.constant 1.000000e+00 : f32
    %broadcast_in_dim3A_0 = vector.broadcast %broadcast_in_dim3A : f32 to vector<32x1xf32>
    %get3A = arith.constant 0 : index
    %get3A_1 = arith.constant 0 : index
    %get3A_2 = vector.load %arg0[%get3A, %get3A_1] : memref<32x10000xf32, #tpu.memory_space<vmem>>, vector<32x10000xf32>
    %dot_general3A = arith.constant dense<0.000000e+00> : vector<10000x1xf32>
    %dot_general3A_3 = tpu.matmul %get3A_2, %broadcast_in_dim3A_0, %dot_general3A {dimension_numbers = #tpu.dot_dimension_numbers<[0], [0], [1], [1], [0, 1, 1, 1], [], []>, transpose_lhs_hint = false} : vector<32x10000xf32>, vector<32x1xf32>, vector<10000x1xf32> -> vector<10000x1xf32>
    %add3A = arith.constant 1.000000e+00 : f32
    %add3A_4 = vector.broadcast %add3A : f32 to vector<10000x1xf32>
    %add3A_5 = arith.addf %dot_general3A_3, %add3A_4 : vector<10000x1xf32>
    %rsqrt3A = math.rsqrt %add3A_5 : vector<10000x1xf32>
    %get3A_6 = arith.constant 0 : index
    %get3A_7 = arith.constant 0 : index
    %get3A_8 = vector.load %arg1[%get3A_6, %get3A_7] : memref<10000x128xf32, #tpu.memory_space<vmem>>, vector<10000x128xf32>
    %get3A_9 = arith.constant 0 : index
    %get3A_10 = arith.constant 0 : index
    %get3A_11 = vector.load %arg2[%get3A_9, %get3A_10] : memref<128x128xf32, #tpu.memory_space<vmem>>, vector<128x128xf32>
    %dot_general3A_12 = arith.constant dense<0.000000e+00> : vector<10000x128xf32>
    %dot_general3A_13 = tpu.matmul %get3A_8, %get3A_11, %dot_general3A_12 {dimension_numbers = #tpu.dot_dimension_numbers<[1], [0], [0], [1], [0, 0, 1, 1], [], []>, transpose_lhs_hint = false} : vector<10000x128xf32>, vector<128x128xf32>, vector<10000x128xf32> -> vector<10000x128xf32>
    %swap3A = arith.constant 0 : index
    %swap3A_14 = arith.constant 0 : index
    %swap3A_15 = vector.load %arg3[%swap3A, %swap3A_14] : memref<10000x1xf32, #tpu.memory_space<vmem>>, vector<10000x1xf32>
    tpu.vector_store %arg3[%swap3A, %swap3A_14], %rsqrt3A {strides = array<i32>} : memref<10000x1xf32, #tpu.memory_space<vmem>>, vector<10000x1xf32>,
    %mul3A = vector.broadcast %rsqrt3A : vector<10000x1xf32> to vector<10000x128xf32>
    %mul3A_16 = arith.mulf %dot_general3A_13, %mul3A : vector<10000x128xf32>
    %swap3A_17 = arith.constant 0 : index
    %swap3A_18 = arith.constant 0 : index
    %swap3A_19 = vector.load %arg4[%swap3A_17, %swap3A_18] : memref<10240x128xf32, #tpu.memory_space<vmem>>, vector<10000x128xf32>
    tpu.vector_store %arg4[%swap3A_17, %swap3A_18], %mul3A_16 {strides = array<i32>} : memref<10240x128xf32, #tpu.memory_space<vmem>>, vector<10000x128xf32>,
    %broadcast_in_dim3A_20 = arith.constant 0.000000e+00 : f32
    %broadcast_in_dim3A_21 = vector.broadcast %broadcast_in_dim3A_20 : f32 to vector<240x128xf32>
    %swap3A_22 = arith.constant 10000 : index
    %swap3A_23 = arith.constant 0 : index
    %swap3A_24 = vector.load %arg4[%swap3A_22, %swap3A_23] : memref<10240x128xf32, #tpu.memory_space<vmem>>, vector<240x128xf32>
    tpu.vector_store %arg4[%swap3A_22, %swap3A_23], %broadcast_in_dim3A_21 {strides = array<i32>} : memref<10240x128xf32, #tpu.memory_space<vmem>>, vector<240x128xf32>,
    return
  }
}

module attributes {stable_mosaic.version = 14 : i64} {
  func.func @_layer_body(%arg0: memref<2x10240x128xf32, #tpu.memory_space<vmem>>, %arg1: memref<10240x128xf32, #tpu.memory_space<vmem>>, %arg2: memref<10000x1xf32, #tpu.memory_space<vmem>>, %arg3: memref<1x128xf32, #tpu.memory_space<vmem>>, %arg4: memref<128x128xf32, #tpu.memory_space<vmem>>, %arg5: memref<10240x128xf32, #tpu.memory_space<vmem>>) attributes {dimension_semantics = [], scalar_prefetch = 0 : i64, scratch_operands = 0 : i64, tpu.core_type = #tpu.core_type<tc>} {
    %get3A = arith.constant 0 : index
    %get3A_0 = arith.constant 0 : index
    %get3A_1 = vector.load %arg2[%get3A, %get3A_0] : memref<10000x1xf32, #tpu.memory_space<vmem>>, vector<10000x1xf32>
    %get3A_2 = arith.constant 0 : index
    %get3A_3 = arith.constant 0 : index
    %get3A_4 = arith.constant 0 : index
    %get3A_5 = vector.load %arg0[%get3A_2, %get3A_3, %get3A_4] : memref<2x10240x128xf32, #tpu.memory_space<vmem>>, vector<1x10240x128xf32>
    %get3A_6 = vector.shape_cast %get3A_5 : vector<1x10240x128xf32> to vector<10240x128xf32>
    %get3A_7 = arith.constant 1 : index
    %get3A_8 = arith.constant 0 : index
    %get3A_9 = arith.constant 0 : index
    %get3A_10 = vector.load %arg0[%get3A_7, %get3A_8, %get3A_9] : memref<2x10240x128xf32, #tpu.memory_space<vmem>>, vector<1x10240x128xf32>
    %get3A_11 = vector.shape_cast %get3A_10 : vector<1x10240x128xf32> to vector<10240x128xf32>
    %add3A = arith.addf %get3A_6, %get3A_11 : vector<10240x128xf32>
    %slice3A = vector.extract_strided_slice %add3A {offsets = [0, 0], sizes = [10000, 128], strides = [1, 1]} : vector<10240x128xf32> to vector<10000x128xf32>
    %get3A_12 = arith.constant 0 : index
    %get3A_13 = arith.constant 0 : index
    %get3A_14 = vector.load %arg1[%get3A_12, %get3A_13] : memref<10240x128xf32, #tpu.memory_space<vmem>>, vector<10240x128xf32>
    %slice3A_15 = vector.extract_strided_slice %get3A_14 {offsets = [0, 0], sizes = [10000, 128], strides = [1, 1]} : vector<10240x128xf32> to vector<10000x128xf32>
    %add3A_16 = arith.addf %slice3A, %slice3A_15 : vector<10000x128xf32>
    %mul3A = vector.broadcast %get3A_1 : vector<10000x1xf32> to vector<10000x128xf32>
    %mul3A_17 = arith.mulf %mul3A, %add3A_16 : vector<10000x128xf32>
    %get3A_18 = arith.constant 0 : index
    %get3A_19 = arith.constant 0 : index
    %get3A_20 = vector.load %arg3[%get3A_18, %get3A_19] : memref<1x128xf32, #tpu.memory_space<vmem>>, vector<1x128xf32>
    %add3A_21 = vector.broadcast %get3A_20 : vector<1x128xf32> to vector<10000x128xf32>
    %add3A_22 = arith.addf %mul3A_17, %add3A_21 : vector<10000x128xf32>
    %max3A = arith.constant 0.000000e+00 : f32
    %max3A_23 = vector.broadcast %max3A : f32 to vector<10000x128xf32>
    %max3A_24 = arith.maximumf %add3A_22, %max3A_23 : vector<10000x128xf32>
    %get3A_25 = arith.constant 0 : index
    %get3A_26 = arith.constant 0 : index
    %get3A_27 = vector.load %arg4[%get3A_25, %get3A_26] : memref<128x128xf32, #tpu.memory_space<vmem>>, vector<128x128xf32>
    %dot_general3A = arith.constant dense<0.000000e+00> : vector<10000x128xf32>
    %dot_general3A_28 = tpu.matmul %max3A_24, %get3A_27, %dot_general3A {dimension_numbers = #tpu.dot_dimension_numbers<[1], [0], [0], [1], [0, 0, 1, 1], [], []>, transpose_lhs_hint = false} : vector<10000x128xf32>, vector<128x128xf32>, vector<10000x128xf32> -> vector<10000x128xf32>
    %mul3A_29 = vector.broadcast %get3A_1 : vector<10000x1xf32> to vector<10000x128xf32>
    %mul3A_30 = arith.mulf %dot_general3A_28, %mul3A_29 : vector<10000x128xf32>
    %swap3A = arith.constant 0 : index
    %swap3A_31 = arith.constant 0 : index
    %swap3A_32 = vector.load %arg5[%swap3A, %swap3A_31] : memref<10240x128xf32, #tpu.memory_space<vmem>>, vector<10000x128xf32>
    tpu.vector_store %arg5[%swap3A, %swap3A_31], %mul3A_30 {strides = array<i32>} : memref<10240x128xf32, #tpu.memory_space<vmem>>, vector<10000x128xf32>,
    %broadcast_in_dim3A = arith.constant 0.000000e+00 : f32
    %broadcast_in_dim3A_33 = vector.broadcast %broadcast_in_dim3A : f32 to vector<240x128xf32>
    %swap3A_34 = arith.constant 10000 : index
    %swap3A_35 = arith.constant 0 : index
    %swap3A_36 = vector.load %arg5[%swap3A_34, %swap3A_35] : memref<10240x128xf32, #tpu.memory_space<vmem>>, vector<240x128xf32>
    tpu.vector_store %arg5[%swap3A_34, %swap3A_35], %broadcast_in_dim3A_33 {strides = array<i32>} : memref<10240x128xf32, #tpu.memory_space<vmem>>, vector<240x128xf32>,
    return
  }
}

module attributes {stable_mosaic.version = 14 : i64} {
  func.func @_final_body(%arg0: memref<2x10240x128xf32, #tpu.memory_space<vmem>>, %arg1: memref<10240x128xf32, #tpu.memory_space<vmem>>, %arg2: memref<10000x1xf32, #tpu.memory_space<vmem>>, %arg3: memref<1x128xf32, #tpu.memory_space<vmem>>, %arg4: memref<10000x1xi32, #tpu.memory_space<vmem>>, %arg5: memref<128x1xf32, #tpu.memory_space<vmem>>, %arg6: memref<1x1xf32, #tpu.memory_space<vmem>>, %arg7: memref<128x3xf32, #tpu.memory_space<vmem>>, %arg8: memref<1x3xf32, #tpu.memory_space<vmem>>, %arg9: memref<64x3xf32, #tpu.memory_space<vmem>>) attributes {dimension_semantics = [], scalar_prefetch = 0 : i64, scratch_operands = 0 : i64, tpu.core_type = #tpu.core_type<tc>} {
    %get3A = arith.constant 0 : index
    %get3A_0 = arith.constant 0 : index
    %get3A_1 = vector.load %arg2[%get3A, %get3A_0] : memref<10000x1xf32, #tpu.memory_space<vmem>>, vector<10000x1xf32>
    %get3A_2 = arith.constant 0 : index
    %get3A_3 = arith.constant 0 : index
    %get3A_4 = arith.constant 0 : index
    %get3A_5 = vector.load %arg0[%get3A_2, %get3A_3, %get3A_4] : memref<2x10240x128xf32, #tpu.memory_space<vmem>>, vector<1x10240x128xf32>
    %get3A_6 = vector.shape_cast %get3A_5 : vector<1x10240x128xf32> to vector<10240x128xf32>
    %get3A_7 = arith.constant 1 : index
    %get3A_8 = arith.constant 0 : index
    %get3A_9 = arith.constant 0 : index
    %get3A_10 = vector.load %arg0[%get3A_7, %get3A_8, %get3A_9] : memref<2x10240x128xf32, #tpu.memory_space<vmem>>, vector<1x10240x128xf32>
    %get3A_11 = vector.shape_cast %get3A_10 : vector<1x10240x128xf32> to vector<10240x128xf32>
    %add3A = arith.addf %get3A_6, %get3A_11 : vector<10240x128xf32>
    %slice3A = vector.extract_strided_slice %add3A {offsets = [0, 0], sizes = [10000, 128], strides = [1, 1]} : vector<10240x128xf32> to vector<10000x128xf32>
    %get3A_12 = arith.constant 0 : index
    %get3A_13 = arith.constant 0 : index
    %get3A_14 = vector.load %arg1[%get3A_12, %get3A_13] : memref<10240x128xf32, #tpu.memory_space<vmem>>, vector<10240x128xf32>
    %slice3A_15 = vector.extract_strided_slice %get3A_14 {offsets = [0, 0], sizes = [10000, 128], strides = [1, 1]} : vector<10240x128xf32> to vector<10000x128xf32>
    %add3A_16 = arith.addf %slice3A, %slice3A_15 : vector<10000x128xf32>
    %mul3A = vector.broadcast %get3A_1 : vector<10000x1xf32> to vector<10000x128xf32>
    %mul3A_17 = arith.mulf %mul3A, %add3A_16 : vector<10000x128xf32>
    %get3A_18 = arith.constant 0 : index
    %get3A_19 = arith.constant 0 : index
    %get3A_20 = vector.load %arg3[%get3A_18, %get3A_19] : memref<1x128xf32, #tpu.memory_space<vmem>>, vector<1x128xf32>
    %add3A_21 = vector.broadcast %get3A_20 : vector<1x128xf32> to vector<10000x128xf32>
    %add3A_22 = arith.addf %mul3A_17, %add3A_21 : vector<10000x128xf32>
    %get3A_23 = arith.constant 0 : index
    %get3A_24 = arith.constant 0 : index
    %get3A_25 = vector.load %arg5[%get3A_23, %get3A_24] : memref<128x1xf32, #tpu.memory_space<vmem>>, vector<128x1xf32>
    %dot_general3A = arith.constant dense<0.000000e+00> : vector<10000x1xf32>
    %dot_general3A_26 = tpu.matmul %add3A_22, %get3A_25, %dot_general3A {dimension_numbers = #tpu.dot_dimension_numbers<[1], [0], [0], [1], [0, 0, 1, 1], [], []>, transpose_lhs_hint = false} : vector<10000x128xf32>, vector<128x1xf32>, vector<10000x1xf32> -> vector<10000x1xf32>
    %get3A_27 = arith.constant 0 : index
    %get3A_28 = arith.constant 0 : index
    %get3A_29 = vector.load %arg6[%get3A_27, %get3A_28] : memref<1x1xf32, #tpu.memory_space<vmem>>, vector<1x1xf32>
    %add3A_30 = vector.broadcast %get3A_29 : vector<1x1xf32> to vector<10000x1xf32>
    %add3A_31 = arith.addf %dot_general3A_26, %add3A_30 : vector<10000x1xf32>
    %iota3A = tpu.iota {dimensions = array<i32: 1>} : vector<10000x64xi32>
    %get3A_32 = arith.constant 0 : index
    %get3A_33 = arith.constant 0 : index
    %get3A_34 = vector.load %arg4[%get3A_32, %get3A_33] : memref<10000x1xi32, #tpu.memory_space<vmem>>, vector<10000x1xi32>
    %eq3A = vector.broadcast %get3A_34 : vector<10000x1xi32> to vector<10000x64xi32>
    %eq3A_35 = arith.cmpi eq, %eq3A, %iota3A : vector<10000x64xi32>
    %convert_element_type3A = arith.extui %eq3A_35 : vector<10000x64xi1> to vector<10000x64xi32>
    %convert_element_type3A_36 = arith.sitofp %convert_element_type3A : vector<10000x64xi32> to vector<10000x64xf32>
    %jit3A = arith.constant -1.000000e+30 : f32
    %broadcast_in_dim3A = vector.shape_cast %add3A_31 : vector<10000x1xf32> to vector<10000x1xf32>
    %broadcast_in_dim3A_37 = vector.broadcast %broadcast_in_dim3A : vector<10000x1xf32> to vector<10000x64xf32>
    %broadcast_in_dim3A_38 = vector.broadcast %jit3A : f32 to vector<10000x64xf32>
    %select_n3A = arith.select %eq3A_35, %broadcast_in_dim3A_37, %broadcast_in_dim3A_38 : vector<10000x64xi1>, vector<10000x64xf32>
    %reduce_max3A = arith.constant dense<0xFF800000> : vector<64xf32>
    %reduce_max3A_39 = vector.multi_reduction <maximumf>, %select_n3A, %reduce_max3A [0] : vector<10000x64xf32> to vector<64xf32>
    %broadcast_in_dim3A_40 = vector.shape_cast %reduce_max3A_39 : vector<64xf32> to vector<1x64xf32>
    %mul3A_41 = vector.broadcast %broadcast_in_dim3A_40 : vector<1x64xf32> to vector<10000x64xf32>
    %mul3A_42 = arith.mulf %convert_element_type3A_36, %mul3A_41 : vector<10000x64xf32>
    %reduce_sum3A = arith.constant dense<0.000000e+00> : vector<10000xf32>
    %reduce_sum3A_43 = vector.multi_reduction <add>, %mul3A_42, %reduce_sum3A [1] : vector<10000x64xf32> to vector<10000xf32>
    %broadcast_in_dim3A_44 = vector.shape_cast %reduce_sum3A_43 : vector<10000xf32> to vector<10000x1xf32>
    %sub3A = arith.subf %add3A_31, %broadcast_in_dim3A_44 : vector<10000x1xf32>
    %exp3A = math.exp %sub3A : vector<10000x1xf32>
    %mul3A_45 = vector.broadcast %exp3A : vector<10000x1xf32> to vector<10000x64xf32>
    %mul3A_46 = arith.mulf %convert_element_type3A_36, %mul3A_45 : vector<10000x64xf32>
    %reduce_sum3A_47 = arith.constant dense<0.000000e+00> : vector<64xf32>
    %reduce_sum3A_48 = vector.multi_reduction <add>, %mul3A_46, %reduce_sum3A_47 [0] : vector<10000x64xf32> to vector<64xf32>
    %broadcast_in_dim3A_49 = vector.shape_cast %reduce_sum3A_48 : vector<64xf32> to vector<1x64xf32>
    %mul3A_50 = vector.broadcast %broadcast_in_dim3A_49 : vector<1x64xf32> to vector<10000x64xf32>
    %mul3A_51 = arith.mulf %convert_element_type3A_36, %mul3A_50 : vector<10000x64xf32>
    %reduce_sum3A_52 = arith.constant dense<0.000000e+00> : vector<10000xf32>
    %reduce_sum3A_53 = vector.multi_reduction <add>, %mul3A_51, %reduce_sum3A_52 [1] : vector<10000x64xf32> to vector<10000xf32>
    %broadcast_in_dim3A_54 = vector.shape_cast %reduce_sum3A_53 : vector<10000xf32> to vector<10000x1xf32>
    %div3A = arith.divf %exp3A, %broadcast_in_dim3A_54 : vector<10000x1xf32>
    %mul3A_55 = vector.broadcast %div3A : vector<10000x1xf32> to vector<10000x128xf32>
    %mul3A_56 = arith.mulf %mul3A_55, %add3A_22 : vector<10000x128xf32>
    %dot_general3A_57 = arith.constant dense<0.000000e+00> : vector<64x128xf32>
    %dot_general3A_58 = tpu.matmul %convert_element_type3A_36, %mul3A_56, %dot_general3A_57 {dimension_numbers = #tpu.dot_dimension_numbers<[0], [0], [1], [1], [0, 1, 1, 1], [], []>, transpose_lhs_hint = false} : vector<10000x64xf32>, vector<10000x128xf32>, vector<64x128xf32> -> vector<64x128xf32>
    %get3A_59 = arith.constant 0 : index
    %get3A_60 = arith.constant 0 : index
    %get3A_61 = vector.load %arg7[%get3A_59, %get3A_60] : memref<128x3xf32, #tpu.memory_space<vmem>>, vector<128x3xf32>
    %dot_general3A_62 = arith.constant dense<0.000000e+00> : vector<64x3xf32>
    %dot_general3A_63 = tpu.matmul %dot_general3A_58, %get3A_61, %dot_general3A_62 {dimension_numbers = #tpu.dot_dimension_numbers<[1], [0], [0], [1], [0, 0, 1, 1], [], []>, transpose_lhs_hint = false} : vector<64x128xf32>, vector<128x3xf32>, vector<64x3xf32> -> vector<64x3xf32>
    %get3A_64 = arith.constant 0 : index
    %get3A_65 = arith.constant 0 : index
    %get3A_66 = vector.load %arg8[%get3A_64, %get3A_65] : memref<1x3xf32, #tpu.memory_space<vmem>>, vector<1x3xf32>
    %add3A_67 = vector.broadcast %get3A_66 : vector<1x3xf32> to vector<64x3xf32>
    %add3A_68 = arith.addf %dot_general3A_63, %add3A_67 : vector<64x3xf32>
    %tanh3A = math.tanh %add3A_68 : vector<64x3xf32>
    %swap3A = arith.constant 0 : index
    %swap3A_69 = arith.constant 0 : index
    %swap3A_70 = vector.load %arg9[%swap3A, %swap3A_69] : memref<64x3xf32, #tpu.memory_space<vmem>>, vector<64x3xf32>
    tpu.vector_store %arg9[%swap3A, %swap3A_69], %tanh3A {strides = array<i32>} : memref<64x3xf32, #tpu.memory_space<vmem>>, vector<64x3xf32>,
    return
  }
}

</mosaic_0001>

<sc_bundles>
// kernel: kernel.10.cloned.1.call-start
scs
__scs_entry_jumppad:
0x0: {  	(pc) =	sbr.rel $0x88, $3  }
0x1: {  	(tag) =	ssettag $0x0;
	lr =	simm.s32 $0x1  }
0x2: {  	[smem:$0x3F94] =	sst lr;
	_ =	strace $0xD0000000  }
0x3: {  	_ = 	snop  }
0x4: {  	_ = 	snop  }
0x5: {  	_ = 	snop  }
0x6: {  	_ = 	snop  }
0x7: {  	_ = 	snop  }
__scs_overlays_trampoline_lowered:
0x8: {  	[smem:$0x3FA3] =	sst s0  }
0x9: {  	[smem:$0x3FA4] =	sst s1  }
0xa: {  	[smem:$0x3FA5] =	sst s2  }
0xb: {  	[smem:$0x3FA6] =	sst s3  }
0xc: {  	[smem:$0x3FA7] =	sst s4  }
0xd: {  	[smem:$0x3FA8] =	sst s5  }
0xe: {  	[smem:$0x3FA9] =	sst s6  }
0xf: {  	[smem:$0x3FAA] =	sst s7  }
0x10: {  	[smem:$0x3FAB] =	sst s8  }
0x11: {  	[smem:$0x3FAC] =	sst s9;
	s0 =	simm.s32 @!p0 $0x0  }
0x12: {  	s1 =	sld [smem:$0x3F92];
	s0 =	simm.s32 @p0 $0x1  }
0x13: {  	[smem:$0x3FAD] =	sst s0;
	s0 =	simm.s32 @!p1 $0x0  }
0x14: {  	s2 =	sld [smem:$0x3F91];
	s0 =	simm.s32 @p1 $0x1  }
0x15: {  	[smem:$0x3FAE] =	sst s0;
	s0 =	simm.s32 @!p2 $0x0  }
0x16: {  	s3 =	sld [smem:$0x3FDB];
	s0 =	simm.s32 @p2 $0x1  }
0x17: {  	s4 =	simm.s32 $0x1BF5;
	[smem:$0x3FB0] =	sst s0  }
0x18: {  	s0 =	sld [smem:$0x3F93];
	_ =	swait.ge [sflag:s4], $0x0  }
0x19: {  	s7 =	sld [smem:$0x3F94]  }
0x1a: {  	s8 =	sadd.s32 $0xFFFFE003, lr  }
0x1b: {  	s9 =	sadd.s32 $0xFFFFFEF7, lr;
	s5 =	simm.s32 $0xFFFFFFFF;
	p2 =	slt.u32 s8, $0xFFFFF086  }
0x1c: {  	p1 =	slt.u32 s9, $0xF7A;
	s5 =	simm.s32 @!p2 $0x0  }
0x1d: {  	s5 =	simm.s32 @p1 $0x1;
	p0 =	seq.s32 s7, s2  }
0x1e: {  	s7 =	smul.u32 @!p0 $0xF7A, s2;
	p2 =	seq.s32 @!p0 s5, $0x0  }
0x1f: {  	s9 =	smul.u32 $0xF7A, s1;
	s8 =	simm.s32 @!p0 $0x1BF5;
	p2 =	por !p2, p0  }
0x20: {  	[sflag:s8] =	ssyncset.s32 @!p0 $0xFFFFF086;
	s6 =	sadd.s32 @!p0 s3, s7;
	s7 =	simm.s32 @!p0 $0x108  }
0x21: {  	s3 =	sadd.s32 s3, s9;
	s6 =	sadd.s32 @!p0 $0x88, s6;
	s7 =	simm.s32 @p2 $0x1082  }
0x22: {  	[simem:s7], [sflag:s8] =	dma.local @!p0 [hbm:s6], $0xF7A  }
0x23: {  	s9 =	sor.u32 $0xD0000000, s2;
	s6 =	simm.s32 $0x108;
	_ =	swait.ge @!p0 [sflag:s8], $0x0  }
0x24: {  	s3 =	sadd.s32 $0x88, s3;
	s6 =	simm.s32 @!p1 $0x1082;
	[sflag:s4] =	ssyncset.s32 $0xFFFFF086  }
0x25: {  	[simem:s6], [sflag:s4] =	dma.local [hbm:s3], $0xF7A  }
0x26: {  	[smem:$0x3F94] =	sst s1;
	(tag) =	ssettag s2;
	_ =	strace s9  }
0x27: {  	s1 =	sld [smem:$0x3FA4]  }
0x28: {  	s2 =	sld [smem:$0x3FA5]  }
0x29: {  	s4 =	sld [smem:$0x3FA7]  }
0x2a: {  	p0 =	seq.s32 s5, $0x0;
	s5 =	sld [smem:$0x3FA8]  }
0x2b: {  	s6 =	sld [smem:$0x3FA9]  }
0x2c: {  	s7 =	sld [smem:$0x3FAA]  }
0x2d: {  	s3 =	simm.s32 $0x108;
	s8 =	sld [smem:$0x3FAB]  }
0x2e: {  	s3 =	simm.s32 @!p0 $0x1082;
	s9 =	sld [smem:$0x3FAC]  }
0x2f: {  	lr =	sadd.s32 s0, s3;
	s0 =	sld [smem:$0x3FA3]  }
0x30: {  	s3 =	sld [smem:$0x3FA6]  }
0x31: {  	[smem:$0x3FAF] =	sst s10  }
0x32: {  	s10 =	sld [smem:$0x3FAD];
	_ =	sdelay $0x3  }
0x33: {  	p0 =	seq.s32 s10, $0x1;
	s10 =	sld [smem:$0x3FAF];
	_ =	sdelay $0x3  }
0x34: {  	[smem:$0x3FAF] =	sst s10  }
0x35: {  	s10 =	sld [smem:$0x3FAE];
	_ =	sdelay $0x3  }
0x36: {  	p1 =	seq.s32 s10, $0x1;
	s10 =	sld [smem:$0x3FAF];
	_ =	sdelay $0x3  }
0x37: {  	[smem:$0x3FAF] =	sst s10  }
0x38: {  	s10 =	sld [smem:$0x3FB0]  }
0x39: {  	_ = 	snop;
	(pc) =	sbr.ind lr, $3  }
0x3a: {  	_ = 	snop  }
0x3b: {  	_ = 	snop  }
0x3c: {  	p2 =	seq.s32 s10, $0x1;
	s10 =	sld [smem:$0x3FAF]  }
0x3d: {  	_ =	shalt  }
0x3e: {  	_ =	shalt  }
0x3f: {  	_ =	shalt  }
0x40: {  	_ =	shalt  }
0x41: {  	_ =	shalt  }
0x42: {  	_ =	shalt  }
0x43: {  	_ =	shalt  }
0x44: {  	_ =	shalt  }
0x45: {  	_ =	shalt  }
0x46: {  	_ =	shalt  }
0x47: {  	_ =	shalt  }
0x48: {  	_ =	shalt  }
0x49: {  	_ =	shalt  }
0x4a: {  	_ =	shalt  }
0x4b: {  	_ =	shalt  }
0x4c: {  	_ =	shalt  }
0x4d: {  	_ =	shalt  }
0x4e: {  	_ =	shalt  }
0x4f: {  	_ =	shalt  }
0x50: {  	_ =	shalt  }
0x51: {  	_ =	shalt  }
0x52: {  	_ =	shalt  }
0x53: {  	_ =	shalt  }
0x54: {  	_ =	shalt  }
0x55: {  	_ =	shalt  }
0x56: {  	_ =	shalt  }
0x57: {  	_ =	shalt  }
0x58: {  	_ =	shalt  }
0x59: {  	_ =	shalt  }
0x5a: {  	_ =	shalt  }
0x5b: {  	_ =	shalt  }
0x5c: {  	_ =	shalt  }
0x5d: {  	_ =	shalt  }
0x5e: {  	_ =	shalt  }
0x5f: {  	_ =	shalt  }
0x60: {  	_ =	shalt  }
0x61: {  	_ =	shalt  }
0x62: {  	_ =	shalt  }
0x63: {  	_ =	shalt  }
0x64: {  	_ =	shalt  }
0x65: {  	_ =	shalt  }
0x66: {  	_ =	shalt  }
0x67: {  	_ =	shalt  }
0x68: {  	_ =	shalt  }
0x69: {  	_ =	shalt  }
0x6a: {  	_ =	shalt  }
0x6b: {  	_ =	shalt  }
0x6c: {  	_ =	shalt  }
0x6d: {  	_ =	shalt  }
0x6e: {  	_ =	shalt  }
0x6f: {  	_ =	shalt  }
0x70: {  	_ =	shalt  }
0x71: {  	_ =	shalt  }
0x72: {  	_ =	shalt  }
0x73: {  	_ =	shalt  }
0x74: {  	_ =	shalt  }
0x75: {  	_ =	shalt  }
0x76: {  	_ =	shalt  }
0x77: {  	_ =	shalt  }
0x78: {  	_ =	shalt  }
0x79: {  	_ =	shalt  }
0x7a: {  	_ =	shalt  }
0x7b: {  	_ =	shalt  }
0x7c: {  	_ =	shalt  }
0x7d: {  	_ =	shalt  }
0x7e: {  	_ =	shalt  }
0x7f: {  	_ =	shalt  }
0x80: {  	_ =	shalt  }
0x81: {  	_ =	shalt  }
0x82: {  	_ =	shalt  }
0x83: {  	_ =	shalt  }
0x84: {  	_ =	shalt  }
0x85: {  	_ =	shalt  }
0x86: {  	_ =	shalt  }
0x87: {  	_ =	shalt  }
.Lfunc_end0:
.L_simem_size_0:
called_computation_lowered:
.L_overlay_start_0:
0x88: {  	s2 =	sld [smem:$0x3FD9]  }
0x89: {  	s3 =	sld [smem:$0x3FFE];
	_ =	sdelay $0x1  }
0x8a: {  	s1 =	srdreg.scid  }
0x8b: {  	s0 =	sand.u32 $0x1, s1  }
0x8c: {  	s16 =	sshll.u32 s0, $0xA;
	s2 =	sadd.s32 s3, s2  }
0x8d: {  	s2 =	sadd.s32 s2, s16  }
0x8e: {  	[smem:$0x3FBB] =	sst s2  }
0x8f: {  	_ = 	snop  }
0x90: {  	(tm) =	ssettm $0x1  }
0x91: {  	s17 =	sld [smem:$0x3FFB];
	_ =	sdelay $0x3  }
0x92: {  	_ =	strace s17  }
0x93: {  	s2 =	sld [smem:$0x3FFC];
	_ =	sdelay $0x3  }
0x94: {  	_ =	strace s2  }
0x95: {  	s2 =	sld [smem:$0x3FFD];
	_ =	sdelay $0x3  }
0x96: {  	_ =	strace s2  }
0x97: {  	_ =	strace $0x8FFFFFFF  }
0x98: {  	s18 =	sld [smem:$0x3FDB];
	_ =	sdelay $0x1  }
0x99: {  	s19 =	simm.s32 $_scs_section_size  }
0x9a: {  	s4 =	simm.s32 $_size__tile_overlayer_lowered;
	s5 =	simm.s32 $_tile_overlayer_lowered  }
0x9b: {  	s22 =	simm.s32 $0x1BFF;
	s21 =	sshll.u32 s5, $0x1;
	s2 =	sadd.s32 s19, s18  }
0x9c: {  	s6 =	simm.s32 $0x0;
	s20 =	sshll.u32 s4, $0x1;
	s4 =	sadd.s32 s21, s2  }
0x9d: {  	[timem:s6], [sflag:s22] =	dma.local [hbm:s4], s20  }
0x9e: {  	_ =	swait.ge [sflag:s22], s20  }
0x9f: {  	s3 =	ssub.s32 $0x0, s20;
	[sflag:s22] =	ssyncset.done $0x0  }
0xa0: {  	[sflag:s22] =	ssyncadd.s32 s3;
	_ =	sdelay $0x1  }
0xa1: {  	s23 =	simm.s32 $0x1B8B  }
0xa2: {  	_ =	swait.ge [sflag:s23], $0x1  }
0xa3: {  	[sflag:s23] =	ssyncset.done $0x0  }
0xa4: {  	s25 =	simm.s32 $0x1B8E;
	s24 =	sld [smem:$0x3FFE];
	[sflag:s23] =	ssyncadd.s32 $0xFFFFFFFF  }
0xa5: {  	s26 =	simm.s32 $execute0_lowered;
	[smem:$0x3FD2] =	sst s25  }
0xa6: {  	s4 =	sshll.u32 s26, $0x1;
	_ =	strace $0x80000046;
	[dreg:$0x1] =	wrdreg $0xFFFFFFFF  }
0xa7: {  	s28 =	simm.s32 $_size_execute0_lowered;
	s2 =	sadd.s32 s2, s4;
	[dreg:$0x0] =	wrdreg $0x0  }
0xa8: {  	s4 =	sshll.u32 s28, $0x1;
	[dreg:$0x2] =	wrdreg s2  }
0xa9: {  	[dreg:$0x3] =	wrdreg s4  }
0xaa: {  	[dreg:$0x4] =	wrdreg $0xC0  }
0xab: {  	_ =	task [dreg:s6], $0x5FFFF  }
0xac: {  	[dreg:$0x1] =	wrdreg $0xFFFFFFFF  }
0xad: {  	[dreg:$0x0] =	wrdreg $0x60  }
0xae: {  	[dreg:$0x2] =	wrdreg s24  }
0xaf: {  	[dreg:$0x3] =	wrdreg $0x9  }
0xb0: {  	_ =	task.clear_ibuf [dreg:s6], $0x4FFFF;
	_ =	strace $0x90000046  }
0xb1: {  	s29 =	simm.s32 $0x9;
	_ =	strace $0x80000048  }
0xb2: {  	_ =	swait.ge [sflag:s29], $0x1  }
0xb3: {  	[sflag:s29] =	ssyncadd.s32 $0xFFFFFFFF  }
0xb4: {  	_ =	strace $0x90000048  }
0xb5: {  	_ =	sfence  }
0xb6: {  	s30 =	sld [smem:$0x0];
	_ =	sdelay $0x2  }
0xb7: {  	s31 =	sshll.u32 s1, $0xD;
	s1 =	sshrl.u32 s1, $0x2  }
0xb8: {  	s3 =	sand.u32 $0x4000, s31;
	s1 =	sadd.s32 s1, s30  }
0xb9: {  	s0 =	sor.u32 s3, s0;
	s1 =	sshll.u32 s1, $0x11  }
0xba: {  	s0 =	sor.u32 s1, s0  }
0xbb: {  	s0 =	sadd.s32 $0x8F2B, s0  }
0xbc: {  	[sflag:s0] =	ssyncadd.remote.s32 $0x1  }
0xbd: {  	_ =	sfence.sel $0xFFFF  }
0xbe: {  	[dreg:$0x0] =	wrdreg $0xFFFFFFFF;
	(pc) =	sbr.abs _section_cstart, $3  }
0xbf: {  	[dreg:$0x1] =	wrdreg $0xFFFFFFFF  }
0xc0: {  	_ =	task.clear_ibuf [dreg:s6], $0x2FFFF;
	_ =	strace $0x9FFFFFFF  }
0xc1: {  	(tm) =	ssettm $0x7FFFFFFF  }
tec
execute0_lowered:
.L_overlay_start_1:
0x0: {  	(tag) =	ssettag $0x1  }
0x1: {  	s0 =	srdreg.scid  }
0x2: {  	s4 =	rddreg [dreg:$0x0];
	s3 =	sand.u32 $0x1, s0  }
0x3: {  	s1 =	stileid.u32;
	s7 =	simm.s32 $0x1;
	s2 =	sshll.u32 s3, $0x4  }
0x4: {  	s0 =	rddreg [dreg:$0x1];
	s3 =	ssub.s32 $0x2, s3;
	s5 =	sor.u32 s1, s2  }
0x5: {  	s2 =	simm.s32 $0x0;
	s6 =	sshrl.u32 s3, $0x1;
	s5 =	smul.u32 $0x4E2, s5  }
0x6: {  	s8 =	simm.s32 $0x0;
	[smem:$0x7FF] =	sst s2;
	s31 =	ssub.s32 s3, s6  }
0x7: {  	s6 =	simm.s32 $0x2780;
	_ =	strace $0x80000047;
	s4 =	sadd.s32 s5, s4  }
0x8: {  	v0 =	vimm.f32 $0.0e+00;
	v1 =	vimm.f32 $1.000000000e+00;
	s5 =	smax.u32 s31, $0x1;
	s3 =	sadd.s32 $0x3600, s4;
	s4 =	sadd.s32 $0xD400, s4  }
.LBB2_1:
0x9: {  	s9 =	simm.s32 $0x40;
	s10 =	simm.s32 $0x0  }
.LBB2_2:
0xa: {  	p0 =	sne.s32 s9, $0x9C00;
	[tilespmem:s10+$0x0] =	vst v0;
	s10 =	smov.u32 s9;
	s9 =	sadd.s32 $0x40, s9  }
.Ltmp0:
0xb: {  	(pc) =	sbr.rel @p0 .LBB2_2-.Ltmp0, $2  }
0xc: {  	_ =	sdelay $0x2  }
0xd: {  	s10 =	sshra.s32 s10, $0x2  }
0xe: {  	[tilespmem:s10+$0x0] =	vst v0;
	s9 =	simm.s32 $0x0  }
0xf: {  	[tilespmem:s6], [sflag:$0x1] =	stream.linear.gather [hbm4b:s3+s9], $0x2710, $0x38;
	[tilespmem:$0x4F00] =	vst v63  }
0x10: {  	_ =	swait.ge [sflag:s7], $0x2710  }
0x11: {  	[sflag:s7] =	ssyncset.done $0x0  }
0x12: {  	s10 =	simm.s32 $0x0;
	s9 =	simm.s32 $0x40;
	[sflag:s7] =	ssyncadd.s32 $0xFFFFD8F0  }
.LBB2_4:
0x13: {  	p0 =	sne.s32 s9, $0x9C00;
	v2 =	vld [tilespmem:s10+$0x2780];
	_ =	sdelay $0x3  }
.Ltmp1:
0x14: {  	(pc) =	sbr.rel @p0 .LBB2_4-.Ltmp1, $2  }
0x15: {  	_ =	sdelay $0x2  }
0x16: {  	s10 =	sshra.s32 s9, $0x2;
	s9 =	sadd.s32 $0x40, s9;
	[tilespmem:v2+s2+$0x0] =	vst.idx.add.f32.msk $0xffff, v1  }
0x17: {  	v2 =	vld [tilespmem:s10+$0x2780];
	_ =	sdelay $0x5  }
0x18: {  	s8 =	sadd.s32 $0x1, s8  }
0x19: {  	p0 =	sne.s32 s8, s5  }
.Ltmp2:
0x1a: {  	[tilespmem:v2+s2+$0x0] =	vst.idx.add.f32.msk $0xffff, v1;
	(pc) =	sbr.rel @p0 .LBB2_1-.Ltmp2, $4  }
0x1b: {  	[hbm4b:s4+s2] =	stream.linear.scatter [tilespmem:s2], [sflag:$0x1], $0x2710, $0x38;
	[tilespmem:$0x4F00] =	vst v63  }
0x1c: {  	_ =	swait.ge [sflag:s7], $0x2710  }
0x1d: {  	[sflag:s7] =	ssyncset.done $0x0  }
0x1e: {  	[sflag:s7] =	ssyncadd.s32 $0xFFFFD8F0  }
0x1f: {  	_ =	sfence.sel $0x180000  }
0x20: {  	[bflag:$0x0] =	sbarrier.arrive $0xFFFF  }
0x21: {  	p0 =	sne.s32 s1, $0x0;
	_ =	strace $0x90000047  }
0x22: {  	s0 =	sadd.s32 @!p0 $0x100000, s0;
	[bflag:$0x2] =	sbarrier.arrive $0xFFFF  }
0x23: {  	[sflag:s0] =	ssyncadd.tile.s32 @!p0 $0x1;
	_ =	shalt  }
.Lfunc_end2:
_tile_overlayer_lowered:
.L_overlay_start_2:
0x24: {  	(tag) =	ssettag $0x2  }
0x25: {  	s0 =	rddreg [dreg:$0x0];
	s2 =	stileid.u32  }
0x26: {  	s1 =	rddreg [dreg:$0x1];
	p0 =	sne.s32 s2, $0x0  }
0x27: {  	s3 =	rddreg [dreg:$0x2];
	[bflag:$0x3] =	sbarrier.arrive $0xFFFF;
	s2 =	simm.s32 @!p0 $0x1C01  }
0x28: {  	[timem:s3], [sflag:s2] =	dma.local @!p0 [hbm:s0], s1  }
0x29: {  	s0 =	simm.s32 @!p0 $0x1  }
0x2a: {  	_ =	swait.ge @!p0 [sflag:s0], s1  }
0x2b: {  	s1 =	ssub.s32 @!p0 $0x0, s1;
	[sflag:s0] =	ssyncset.done @!p0 $0x0  }
0x2c: {  	[sflag:s0] =	ssyncadd.s32 @!p0 s1  }
0x2d: {  	[bflag:$0x3] =	sbarrier.arrive $0xFFFF  }
0x2e: {  	_ =	shalt  }

// kernel: kernel.13.cloned.1.call-start
scs
__scs_entry_jumppad:
0x0: {  	(pc) =	sbr.rel $0x88, $3  }
0x1: {  	(tag) =	ssettag $0x0;
	lr =	simm.s32 $0x1  }
0x2: {  	[smem:$0x3F94] =	sst lr;
	_ =	strace $0xD0000000  }
0x3: {  	_ = 	snop  }
0x4: {  	_ = 	snop  }
0x5: {  	_ = 	snop  }
0x6: {  	_ = 	snop  }
0x7: {  	_ = 	snop  }
__scs_overlays_trampoline_lowered:
0x8: {  	[smem:$0x3FA3] =	sst s0  }
0x9: {  	[smem:$0x3FA4] =	sst s1  }
0xa: {  	[smem:$0x3FA5] =	sst s2  }
0xb: {  	[smem:$0x3FA6] =	sst s3  }
0xc: {  	[smem:$0x3FA7] =	sst s4  }
0xd: {  	[smem:$0x3FA8] =	sst s5  }
0xe: {  	[smem:$0x3FA9] =	sst s6  }
0xf: {  	[smem:$0x3FAA] =	sst s7  }
0x10: {  	[smem:$0x3FAB] =	sst s8  }
0x11: {  	[smem:$0x3FAC] =	sst s9;
	s0 =	simm.s32 @!p0 $0x0  }
0x12: {  	s1 =	sld [smem:$0x3F92];
	s0 =	simm.s32 @p0 $0x1  }
0x13: {  	[smem:$0x3FAD] =	sst s0;
	s0 =	simm.s32 @!p1 $0x0  }
0x14: {  	s2 =	sld [smem:$0x3F91];
	s0 =	simm.s32 @p1 $0x1  }
0x15: {  	[smem:$0x3FAE] =	sst s0;
	s0 =	simm.s32 @!p2 $0x0  }
0x16: {  	s3 =	sld [smem:$0x3FDB];
	s0 =	simm.s32 @p2 $0x1  }
0x17: {  	s4 =	simm.s32 $0x1BF5;
	[smem:$0x3FB0] =	sst s0  }
0x18: {  	s0 =	sld [smem:$0x3F93];
	_ =	swait.ge [sflag:s4], $0x0  }
0x19: {  	s7 =	sld [smem:$0x3F94]  }
0x1a: {  	s8 =	sadd.s32 $0xFFFFE003, lr  }
0x1b: {  	s9 =	sadd.s32 $0xFFFFFEF7, lr;
	s5 =	simm.s32 $0xFFFFFFFF;
	p2 =	slt.u32 s8, $0xFFFFF086  }
0x1c: {  	p1 =	slt.u32 s9, $0xF7A;
	s5 =	simm.s32 @!p2 $0x0  }
0x1d: {  	s5 =	simm.s32 @p1 $0x1;
	p0 =	seq.s32 s7, s2  }
0x1e: {  	s7 =	smul.u32 @!p0 $0xF7A, s2;
	p2 =	seq.s32 @!p0 s5, $0x0  }
0x1f: {  	s9 =	smul.u32 $0xF7A, s1;
	s8 =	simm.s32 @!p0 $0x1BF5;
	p2 =	por !p2, p0  }
0x20: {  	[sflag:s8] =	ssyncset.s32 @!p0 $0xFFFFF086;
	s6 =	sadd.s32 @!p0 s3, s7;
	s7 =	simm.s32 @!p0 $0x108  }
0x21: {  	s3 =	sadd.s32 s3, s9;
	s6 =	sadd.s32 @!p0 $0x88, s6;
	s7 =	simm.s32 @p2 $0x1082  }
0x22: {  	[simem:s7], [sflag:s8] =	dma.local @!p0 [hbm:s6], $0xF7A  }
0x23: {  	s9 =	sor.u32 $0xD0000000, s2;
	s6 =	simm.s32 $0x108;
	_ =	swait.ge @!p0 [sflag:s8], $0x0  }
0x24: {  	s3 =	sadd.s32 $0x88, s3;
	s6 =	simm.s32 @!p1 $0x1082;
	[sflag:s4] =	ssyncset.s32 $0xFFFFF086  }
0x25: {  	[simem:s6], [sflag:s4] =	dma.local [hbm:s3], $0xF7A  }
0x26: {  	[smem:$0x3F94] =	sst s1;
	(tag) =	ssettag s2;
	_ =	strace s9  }
0x27: {  	s1 =	sld [smem:$0x3FA4]  }
0x28: {  	s2 =	sld [smem:$0x3FA5]  }
0x29: {  	s4 =	sld [smem:$0x3FA7]  }
0x2a: {  	p0 =	seq.s32 s5, $0x0;
	s5 =	sld [smem:$0x3FA8]  }
0x2b: {  	s6 =	sld [smem:$0x3FA9]  }
0x2c: {  	s7 =	sld [smem:$0x3FAA]  }
0x2d: {  	s3 =	simm.s32 $0x108;
	s8 =	sld [smem:$0x3FAB]  }
0x2e: {  	s3 =	simm.s32 @!p0 $0x1082;
	s9 =	sld [smem:$0x3FAC]  }
0x2f: {  	lr =	sadd.s32 s0, s3;
	s0 =	sld [smem:$0x3FA3]  }
0x30: {  	s3 =	sld [smem:$0x3FA6]  }
0x31: {  	[smem:$0x3FAF] =	sst s10  }
0x32: {  	s10 =	sld [smem:$0x3FAD];
	_ =	sdelay $0x3  }
0x33: {  	p0 =	seq.s32 s10, $0x1;
	s10 =	sld [smem:$0x3FAF];
	_ =	sdelay $0x3  }
0x34: {  	[smem:$0x3FAF] =	sst s10  }
0x35: {  	s10 =	sld [smem:$0x3FAE];
	_ =	sdelay $0x3  }
0x36: {  	p1 =	seq.s32 s10, $0x1;
	s10 =	sld [smem:$0x3FAF];
	_ =	sdelay $0x3  }
0x37: {  	[smem:$0x3FAF] =	sst s10  }
0x38: {  	s10 =	sld [smem:$0x3FB0]  }
0x39: {  	_ = 	snop;
	(pc) =	sbr.ind lr, $3  }
0x3a: {  	_ = 	snop  }
0x3b: {  	_ = 	snop  }
0x3c: {  	p2 =	seq.s32 s10, $0x1;
	s10 =	sld [smem:$0x3FAF]  }
0x3d: {  	_ =	shalt  }
0x3e: {  	_ =	shalt  }
0x3f: {  	_ =	shalt  }
0x40: {  	_ =	shalt  }
0x41: {  	_ =	shalt  }
0x42: {  	_ =	shalt  }
0x43: {  	_ =	shalt  }
0x44: {  	_ =	shalt  }
0x45: {  	_ =	shalt  }
0x46: {  	_ =	shalt  }
0x47: {  	_ =	shalt  }
0x48: {  	_ =	shalt  }
0x49: {  	_ =	shalt  }
0x4a: {  	_ =	shalt  }
0x4b: {  	_ =	shalt  }
0x4c: {  	_ =	shalt  }
0x4d: {  	_ =	shalt  }
0x4e: {  	_ =	shalt  }
0x4f: {  	_ =	shalt  }
0x50: {  	_ =	shalt  }
0x51: {  	_ =	shalt  }
0x52: {  	_ =	shalt  }
0x53: {  	_ =	shalt  }
0x54: {  	_ =	shalt  }
0x55: {  	_ =	shalt  }
0x56: {  	_ =	shalt  }
0x57: {  	_ =	shalt  }
0x58: {  	_ =	shalt  }
0x59: {  	_ =	shalt  }
0x5a: {  	_ =	shalt  }
0x5b: {  	_ =	shalt  }
0x5c: {  	_ =	shalt  }
0x5d: {  	_ =	shalt  }
0x5e: {  	_ =	shalt  }
0x5f: {  	_ =	shalt  }
0x60: {  	_ =	shalt  }
0x61: {  	_ =	shalt  }
0x62: {  	_ =	shalt  }
0x63: {  	_ =	shalt  }
0x64: {  	_ =	shalt  }
0x65: {  	_ =	shalt  }
0x66: {  	_ =	shalt  }
0x67: {  	_ =	shalt  }
0x68: {  	_ =	shalt  }
0x69: {  	_ =	shalt  }
0x6a: {  	_ =	shalt  }
0x6b: {  	_ =	shalt  }
0x6c: {  	_ =	shalt  }
0x6d: {  	_ =	shalt  }
0x6e: {  	_ =	shalt  }
0x6f: {  	_ =	shalt  }
0x70: {  	_ =	shalt  }
0x71: {  	_ =	shalt  }
0x72: {  	_ =	shalt  }
0x73: {  	_ =	shalt  }
0x74: {  	_ =	shalt  }
0x75: {  	_ =	shalt  }
0x76: {  	_ =	shalt  }
0x77: {  	_ =	shalt  }
0x78: {  	_ =	shalt  }
0x79: {  	_ =	shalt  }
0x7a: {  	_ =	shalt  }
0x7b: {  	_ =	shalt  }
0x7c: {  	_ =	shalt  }
0x7d: {  	_ =	shalt  }
0x7e: {  	_ =	shalt  }
0x7f: {  	_ =	shalt  }
0x80: {  	_ =	shalt  }
0x81: {  	_ =	shalt  }
0x82: {  	_ =	shalt  }
0x83: {  	_ =	shalt  }
0x84: {  	_ =	shalt  }
0x85: {  	_ =	shalt  }
0x86: {  	_ =	shalt  }
0x87: {  	_ =	shalt  }
.Lfunc_end0:
.L_simem_size_0:
called_computation.1_lowered:
.L_overlay_start_0:
0x88: {  	s2 =	sld [smem:$0x3FD9]  }
0x89: {  	s3 =	sld [smem:$0x3FFE];
	_ =	sdelay $0x1  }
0x8a: {  	s1 =	srdreg.scid  }
0x8b: {  	s0 =	sand.u32 $0x1, s1  }
0x8c: {  	s16 =	sshll.u32 s0, $0xA;
	s2 =	sadd.s32 s3, s2  }
0x8d: {  	s2 =	sadd.s32 s2, s16  }
0x8e: {  	[smem:$0x3FBB] =	sst s2  }
0x8f: {  	_ = 	snop  }
0x90: {  	(tm) =	ssettm $0x1  }
0x91: {  	s17 =	sld [smem:$0x3FFB];
	_ =	sdelay $0x3  }
0x92: {  	_ =	strace s17  }
0x93: {  	s2 =	sld [smem:$0x3FFC];
	_ =	sdelay $0x3  }
0x94: {  	_ =	strace s2  }
0x95: {  	s2 =	sld [smem:$0x3FFD];
	_ =	sdelay $0x3  }
0x96: {  	_ =	strace s2  }
0x97: {  	_ =	strace $0x8FFFFFFF  }
0x98: {  	s18 =	sld [smem:$0x3FDB];
	_ =	sdelay $0x1  }
0x99: {  	s19 =	simm.s32 $_scs_section_size  }
0x9a: {  	s4 =	simm.s32 $_size__tile_overlayer_lowered;
	s5 =	simm.s32 $_tile_overlayer_lowered  }
0x9b: {  	s22 =	simm.s32 $0x1BFF;
	s21 =	sshll.u32 s5, $0x1;
	s2 =	sadd.s32 s19, s18  }
0x9c: {  	s6 =	simm.s32 $0x0;
	s20 =	sshll.u32 s4, $0x1;
	s4 =	sadd.s32 s21, s2  }
0x9d: {  	[timem:s6], [sflag:s22] =	dma.local [hbm:s4], s20  }
0x9e: {  	_ =	swait.ge [sflag:s22], s20  }
0x9f: {  	s3 =	ssub.s32 $0x0, s20;
	[sflag:s22] =	ssyncset.done $0x0  }
0xa0: {  	[sflag:s22] =	ssyncadd.s32 s3;
	_ =	sdelay $0x1  }
0xa1: {  	s23 =	simm.s32 $0x1B8B  }
0xa2: {  	_ =	swait.ge [sflag:s23], $0x1  }
0xa3: {  	[sflag:s23] =	ssyncset.done $0x0  }
0xa4: {  	s25 =	simm.s32 $0x1B8E;
	s24 =	sld [smem:$0x3FFE];
	[sflag:s23] =	ssyncadd.s32 $0xFFFFFFFF  }
0xa5: {  	s26 =	simm.s32 $execute0_lowered;
	[smem:$0x3FD2] =	sst s25  }
0xa6: {  	s4 =	sshll.u32 s26, $0x1;
	_ =	strace $0x80000049;
	[dreg:$0x1] =	wrdreg $0xFFFFFFFF  }
0xa7: {  	s28 =	simm.s32 $_size_execute0_lowered;
	s2 =	sadd.s32 s2, s4;
	[dreg:$0x0] =	wrdreg $0x0  }
0xa8: {  	s4 =	sshll.u32 s28, $0x1;
	[dreg:$0x2] =	wrdreg s2  }
0xa9: {  	[dreg:$0x3] =	wrdreg s4  }
0xaa: {  	[dreg:$0x4] =	wrdreg $0xC0  }
0xab: {  	_ =	task [dreg:s6], $0x5FFFF  }
0xac: {  	[dreg:$0x1] =	wrdreg $0xFFFFFFFF  }
0xad: {  	[dreg:$0x0] =	wrdreg $0x60  }
0xae: {  	[dreg:$0x2] =	wrdreg s24  }
0xaf: {  	[dreg:$0x3] =	wrdreg $0x0  }
0xb0: {  	[dreg:$0x4] =	wrdreg $0x9  }
0xb1: {  	_ =	task.clear_ibuf [dreg:s6], $0x5FFFF;
	_ =	strace $0x90000049  }
0xb2: {  	s29 =	simm.s32 $0x9;
	_ =	strace $0x8000004B  }
0xb3: {  	_ =	swait.ge [sflag:s29], $0x1  }
0xb4: {  	[sflag:s29] =	ssyncadd.s32 $0xFFFFFFFF  }
0xb5: {  	_ =	strace $0x9000004B  }
0xb6: {  	_ =	sfence  }
0xb7: {  	s30 =	sld [smem:$0x0];
	_ =	sdelay $0x2  }
0xb8: {  	s31 =	sshll.u32 s1, $0xD;
	s1 =	sshrl.u32 s1, $0x2  }
0xb9: {  	s3 =	sand.u32 $0x4000, s31;
	s1 =	sadd.s32 s1, s30  }
0xba: {  	s0 =	sor.u32 s3, s0;
	s1 =	sshll.u32 s1, $0x11  }
0xbb: {  	s0 =	sor.u32 s1, s0  }
0xbc: {  	s0 =	sadd.s32 $0x8F2B, s0  }
0xbd: {  	[sflag:s0] =	ssyncadd.remote.s32 $0x1  }
0xbe: {  	_ =	sfence.sel $0xFFFF  }
0xbf: {  	[dreg:$0x0] =	wrdreg $0xFFFFFFFF;
	(pc) =	sbr.abs _section_cstart, $3  }
0xc0: {  	[dreg:$0x1] =	wrdreg $0xFFFFFFFF  }
0xc1: {  	_ =	task.clear_ibuf [dreg:s6], $0x2FFFF;
	_ =	strace $0x9FFFFFFF  }
0xc2: {  	(tm) =	ssettm $0x7FFFFFFF  }
0xc3: {  	_ =	shalt  }
tec
execute0_lowered:
.L_overlay_start_1:
0x0: {  	(tag) =	ssettag $0x1  }
0x1: {  	s5 =	rddreg [dreg:$0x0]  }
0x2: {  	s2 =	rddreg [dreg:$0x1]  }
0x3: {  	s0 =	stileid.u32;
	s4 =	srdreg.scid;
	s3 =	simm.s32 $0x0  }
0x4: {  	s28 =	simm.s32 $0x2;
	s29 =	simm.s32 $0x3;
	s30 =	simm.s32 $0x0  }
0x5: {  	s6 =	smul.u32 $0x14000, s0;
	s7 =	sand.u32 $0x1, s4;
	[smem:$0x7FF] =	sst s3  }
0x6: {  	s4 =	sadd.s32 $0x2B200, s5;
	s16 =	sadd.s32 $0x17200, s5;
	s10 =	smul.u32 $0x50000, s0  }
0x7: {  	s15 =	sadd.s32 $0x21200, s5;
	s24 =	sshll.u32 s0, $0x6;
	s26 =	smul.u32 $0x2800, s0  }
0x8: {  	s8 =	smul.u32 $0x140000, s7;
	_ =	strace $0x8000004A;
	s19 =	ssub.s32 $0x2, s7  }
0x9: {  	s11 =	sshll.u32 s7, $0x4;
	s23 =	smul.u32 $0x28000, s7;
	s9 =	sshrl.u32 s6, $0x3  }
0xa: {  	s20 =	sshrl.u32 s19, $0x1;
	s21 =	sor.u32 s0, s11;
	s22 =	sshrl.u32 s10, $0x2  }
0xb: {  	s6 =	sadd.s32 s6, s8;
	s18 =	sadd.s32 s9, s5;
	s13 =	ssub.s32 s19, s20  }
0xc: {  	s17 =	sadd.s32 s22, s2;
	s19 =	simm.s32 $0x14000;
	s20 =	simm.s32 $0x14080  }
0xd: {  	s22 =	simm.s32 $0x14200;
	s6 =	sshrl.u32 s6, $0x3;
	s17 =	sshrl.u32 s17, $0x3  }
0xe: {  	s12 =	sadd.s32 s6, s5;
	s6 =	smul.u32 $0x2800, s21;
	s5 =	sadd.s32 $0x53200, s18  }
0xf: {  	s18 =	sadd.s32 s26, s23;
	s21 =	simm.s32 $0x80;
	s23 =	simm.s32 $0x14100  }
0x10: {  	s26 =	simm.s32 $0x18200;
	s11 =	sadd.s32 $0x7B200, s12;
	s31 =	sor.u32 $0x180, s18  }
0x11: {  	s12 =	smax.u32 s13, $0x1;
	s18 =	sor.u32 $0x100, s18;
	s25 =	sshrl.u32 s6, $0x3  }
0x12: {  	s6 =	sor.u32 $0x1C04, s24;
	s18 =	sshrl.u32 s18, $0x3;
	s24 =	simm.s32 $0x14180  }
0x13: {  	s7 =	sadd.s32 s16, s25;
	s14 =	sor.u32 $0x10, s25;
	s8 =	sadd.s32 s15, s25  }
0x14: {  	s9 =	sadd.s32 s16, s14;
	s10 =	sadd.s32 s15, s14;
	s14 =	sshrl.u32 s31, $0x3  }
0x15: {  	s25 =	simm.s32 $0x1;
	s13 =	sadd.s32 s14, s15;
	s14 =	sadd.s32 s14, s16  }
0x16: {  	s15 =	sadd.s32 s18, s15;
	s16 =	sadd.s32 s18, s16;
	s18 =	simm.s32 $0x4  }
.LBB2_1:
0x17: {  	[spmem:s17], [sflag:s6] =	dma.local [hbm:s5], $0x2800  }
0x18: {  	_ =	swait.ge [sflag:s18], $0x2800  }
0x19: {  	[sflag:s18] =	ssyncset.done $0x0  }
0x1a: {  	[sflag:s18] =	ssyncadd.s32 $0xFFFFD800  }
0x1b: {  	[bflag:$0x0] =	sbarrier.arrive $0xFFFF  }
0x1c: {  	[tilespmem:s19], [sflag:$0x4] =	stream.linear.gather [hbm4b:s7+s3], $0x80, $0x38;
	[tilespmem:$0x1C200] =	vst v63  }
0x1d: {  	_ =	swait.ge [sflag:s18], $0x80  }
0x1e: {  	[sflag:s18] =	ssyncset.done $0x0  }
0x1f: {  	[sflag:s18] =	ssyncadd.s32 $0xFFFFFF80  }
0x20: {  	[tilespmem:s20], [sflag:$0x4] =	stream.linear.gather [hbm4b:s8+s3], $0x80, $0x38;
	[tilespmem:$0x1C200] =	vst v63  }
0x21: {  	_ =	swait.ge [sflag:s18], $0x80  }
0x22: {  	[sflag:s18] =	ssyncset.done $0x0  }
0x23: {  	[sflag:s18] =	ssyncadd.s32 $0xFFFFFF80  }
0x24: {  	[tilespmem:s22], [sflag:$0x1] =	stream.indirect.gather [hbm4b:s4+s21], $0x80, s19, s21, $0xb8;
	[tilespmem:$0x1C200] =	vst v63  }
0x25: {  	_ = 	snop  }
0x26: {  	[tilespmem:s23], [sflag:$0x4] =	stream.linear.gather [hbm4b:s9+s3], $0x80, $0x38;
	[tilespmem:$0x1C200] =	vst v63  }
0x27: {  	_ =	swait.ge [sflag:s18], $0x80  }
0x28: {  	[sflag:s18] =	ssyncset.done $0x0  }
0x29: {  	[sflag:s18] =	ssyncadd.s32 $0xFFFFFF80  }
0x2a: {  	[tilespmem:s24], [sflag:$0x4] =	stream.linear.gather [hbm4b:s10+s3], $0x80, $0x38;
	[tilespmem:$0x1C200] =	vst v63  }
0x2b: {  	_ =	swait.ge [sflag:s18], $0x80  }
0x2c: {  	[sflag:s18] =	ssyncset.done $0x0  }
0x2d: {  	[sflag:s18] =	ssyncadd.s32 $0xFFFFFF80  }
0x2e: {  	_ =	swait.ge [sflag:s25], $0x4000  }
0x2f: {  	[sflag:s25] =	ssyncset.done $0x0  }
0x30: {  	[sflag:s25] =	ssyncadd.s32 $0xFFFFC000  }
0x31: {  	[tilespmem:s26], [sflag:$0x2] =	stream.indirect.gather [hbm4b:s4+s21], $0x80, s23, s21, $0xb8;
	[tilespmem:$0x1C200] =	vst v63  }
0x32: {  	_ = 	snop  }
0x33: {  	[spmem:s2] =	stream.indirect.scatter.add.f32 [tilespmem:s22], [sflag:$0x4], $0x80, s20, s21, $0xb8;
	[tilespmem:$0x1C200] =	vst v63  }
0x34: {  	_ =	swait.ge [sflag:s18], $0x4000  }
0x35: {  	[sflag:s18] =	ssyncset.done $0x0  }
0x36: {  	s31 =	sadd.s32 $0x0, s16;
	[sflag:s18] =	ssyncadd.s32 $0xFFFFC000  }
0x37: {  	[tilespmem:s19], [sflag:$0x3] =	stream.linear.gather [hbm4b:s31+s3], $0x80, $0x38;
	[tilespmem:$0x1C200] =	vst v63  }
0x38: {  	s31 =	sadd.s32 $0x0, s15  }
0x39: {  	[tilespmem:s20], [sflag:$0x3] =	stream.linear.gather [hbm4b:s31+s3], $0x80, $0x38;
	[tilespmem:$0x1C200] =	vst v63  }
0x3a: {  	_ =	swait.ge [sflag:s28], $0x4000  }
0x3b: {  	[sflag:s28] =	ssyncset.done $0x0  }
0x3c: {  	[sflag:s28] =	ssyncadd.s32 $0xFFFFC000  }
0x3d: {  	_ =	swait.ge [sflag:s29], $0x80  }
0x3e: {  	[sflag:s29] =	ssyncset.done $0x0  }
0x3f: {  	[sflag:s29] =	ssyncadd.s32 $0xFFFFFF80  }
0x40: {  	_ =	swait.ge [sflag:s29], $0x80  }
0x41: {  	[sflag:s29] =	ssyncset.done $0x0  }
0x42: {  	[sflag:s29] =	ssyncadd.s32 $0xFFFFFF80  }
0x43: {  	[tilespmem:s22], [sflag:$0x1] =	stream.indirect.gather [hbm4b:s4+s21], $0x80, s19, s21, $0xb8;
	[tilespmem:$0x1C200] =	vst v63  }
0x44: {  	_ = 	snop  }
0x45: {  	[spmem:s2] =	stream.indirect.scatter.add.f32 [tilespmem:s26], [sflag:$0x4], $0x80, s24, s21, $0xb8;
	[tilespmem:$0x1C200] =	vst v63  }
0x46: {  	_ =	swait.ge [sflag:s18], $0x4000  }
0x47: {  	[sflag:s18] =	ssyncset.done $0x0  }
0x48: {  	s31 =	sadd.s32 $0x0, s14;
	[sflag:s18] =	ssyncadd.s32 $0xFFFFC000  }
0x49: {  	[tilespmem:s23], [sflag:$0x3] =	stream.linear.gather [hbm4b:s31+s3], $0x80, $0x38;
	[tilespmem:$0x1C200] =	vst v63  }
0x4a: {  	s31 =	sadd.s32 $0x0, s13  }
0x4b: {  	[tilespmem:s24], [sflag:$0x3] =	stream.linear.gather [hbm4b:s31+s3], $0x80, $0x38;
	[tilespmem:$0x1C200] =	vst v63  }
0x4c: {  	_ =	swait.ge [sflag:s25], $0x4000  }
0x4d: {  	[sflag:s25] =	ssyncset.done $0x0  }
0x4e: {  	[sflag:s25] =	ssyncadd.s32 $0xFFFFC000  }
0x4f: {  	_ =	swait.ge [sflag:s29], $0x80  }
0x50: {  	[sflag:s29] =	ssyncset.done $0x0  }
0x51: {  	[sflag:s29] =	ssyncadd.s32 $0xFFFFFF80  }
0x52: {  	_ =	swait.ge [sflag:s29], $0x80  }
0x53: {  	s31 =	simm.s32 $0x20;
	[sflag:s29] =	ssyncset.done $0x0  }
.LBB2_2:
0x54: {  	p0 =	sne.s32 s31, $0x4C0  }
0x55: {  	[sflag:s29] =	ssyncadd.s32 $0xFFFFFF80;
	s0 =	smov.u32 s31;
	s31 =	sadd.s32 $0x20, s31  }
0x56: {  	[tilespmem:s26], [sflag:$0x2] =	stream.indirect.gather [hbm4b:s4+s21], $0x80, s23, s21, $0xb8;
	[tilespmem:$0x1C200] =	vst v63  }
0x57: {  	_ = 	snop  }
0x58: {  	[spmem:s2] =	stream.indirect.scatter.add.f32 [tilespmem:s22], [sflag:$0x4], $0x80, s20, s21, $0xb8;
	[tilespmem:$0x1C200] =	vst v63  }
0x59: {  	_ =	swait.ge [sflag:s18], $0x4000  }
0x5a: {  	[sflag:s18] =	ssyncset.done $0x0  }
0x5b: {  	s1 =	sadd.s32 s0, s16;
	[sflag:s18] =	ssyncadd.s32 $0xFFFFC000  }
0x5c: {  	[tilespmem:s19], [sflag:$0x3] =	stream.linear.gather [hbm4b:s1+s3], $0x80, $0x38;
	[tilespmem:$0x1C200] =	vst v63  }
0x5d: {  	s1 =	sadd.s32 s0, s15  }
0x5e: {  	[tilespmem:s20], [sflag:$0x3] =	stream.linear.gather [hbm4b:s1+s3], $0x80, $0x38;
	[tilespmem:$0x1C200] =	vst v63  }
0x5f: {  	_ =	swait.ge [sflag:s28], $0x4000  }
0x60: {  	[sflag:s28] =	ssyncset.done $0x0  }
0x61: {  	[sflag:s28] =	ssyncadd.s32 $0xFFFFC000  }
0x62: {  	_ =	swait.ge [sflag:s29], $0x80  }
0x63: {  	[sflag:s29] =	ssyncset.done $0x0  }
0x64: {  	[sflag:s29] =	ssyncadd.s32 $0xFFFFFF80  }
0x65: {  	_ =	swait.ge [sflag:s29], $0x80  }
0x66: {  	[sflag:s29] =	ssyncset.done $0x0  }
0x67: {  	[sflag:s29] =	ssyncadd.s32 $0xFFFFFF80  }
0x68: {  	[tilespmem:s22], [sflag:$0x1] =	stream.indirect.gather [hbm4b:s4+s21], $0x80, s19, s21, $0xb8;
	[tilespmem:$0x1C200] =	vst v63  }
0x69: {  	_ = 	snop  }
0x6a: {  	[spmem:s2] =	stream.indirect.scatter.add.f32 [tilespmem:s26], [sflag:$0x4], $0x80, s24, s21, $0xb8;
	[tilespmem:$0x1C200] =	vst v63  }
0x6b: {  	_ =	swait.ge [sflag:s18], $0x4000  }
0x6c: {  	[sflag:s18] =	ssyncset.done $0x0  }
0x6d: {  	s1 =	sadd.s32 s0, s14;
	[sflag:s18] =	ssyncadd.s32 $0xFFFFC000  }
0x6e: {  	[tilespmem:s23], [sflag:$0x3] =	stream.linear.gather [hbm4b:s1+s3], $0x80, $0x38;
	[tilespmem:$0x1C200] =	vst v63  }
0x6f: {  	s0 =	sadd.s32 s0, s13  }
0x70: {  	[tilespmem:s24], [sflag:$0x3] =	stream.linear.gather [hbm4b:s0+s3], $0x80, $0x38;
	[tilespmem:$0x1C200] =	vst v63  }
0x71: {  	_ =	swait.ge [sflag:s25], $0x4000  }
0x72: {  	[sflag:s25] =	ssyncset.done $0x0  }
0x73: {  	[sflag:s25] =	ssyncadd.s32 $0xFFFFC000  }
.Ltmp0:
0x74: {  	_ =	swait.ge [sflag:s29], $0x80;
	(pc) =	sbr.rel @p0 .LBB2_2-.Ltmp0, $4  }
0x75: {  	[sflag:s29] =	ssyncset.done $0x0  }
0x76: {  	[sflag:s29] =	ssyncadd.s32 $0xFFFFFF80  }
0x77: {  	_ =	swait.ge [sflag:s29], $0x80  }
0x78: {  	[sflag:s29] =	ssyncset.done $0x0  }
0x79: {  	[sflag:s29] =	ssyncadd.s32 $0xFFFFFF80  }
0x7a: {  	[tilespmem:s26], [sflag:$0x2] =	stream.indirect.gather [hbm4b:s4+s21], $0x80, s23, s21, $0xb8;
	[tilespmem:$0x1C200] =	vst v63  }
0x7b: {  	_ = 	snop  }
0x7c: {  	[spmem:s2] =	stream.indirect.scatter.add.f32 [tilespmem:s22], [sflag:$0x4], $0x80, s20, s21, $0xb8;
	[tilespmem:$0x1C200] =	vst v63  }
0x7d: {  	_ =	swait.ge [sflag:s18], $0x4000  }
0x7e: {  	[sflag:s18] =	ssyncset.done $0x0  }
0x7f: {  	[sflag:s18] =	ssyncadd.s32 $0xFFFFC000  }
0x80: {  	_ =	swait.ge [sflag:s28], $0x4000  }
0x81: {  	[sflag:s28] =	ssyncset.done $0x0  }
0x82: {  	[sflag:s28] =	ssyncadd.s32 $0xFFFFC000  }
0x83: {  	[spmem:s2] =	stream.indirect.scatter.add.f32 [tilespmem:s26], [sflag:$0x4], $0x80, s24, s21, $0xb8;
	[tilespmem:$0x1C200] =	vst v63  }
0x84: {  	_ =	swait.ge [sflag:s18], $0x4000  }
0x85: {  	s30 =	sadd.s32 $0x1, s30;
	[sflag:s18] =	ssyncset.done $0x0  }
0x86: {  	p0 =	sne.s32 s30, s12;
	[sflag:s18] =	ssyncadd.s32 $0xFFFFC000  }
.Ltmp1:
0x87: {  	[bflag:$0x0] =	sbarrier.arrive $0xFFFF;
	(pc) =	sbr.rel @p0 .LBB2_1-.Ltmp1, $4  }
0x88: {  	[hbm:s11], [sflag:s6] =	dma.local [spmem:s17], $0x2800  }
0x89: {  	_ =	swait.ge [sflag:s18], $0x2800  }
0x8a: {  	[sflag:s18] =	ssyncset.done $0x0  }
0x8b: {  	[sflag:s18] =	ssyncadd.s32 $0xFFFFD800  }
0x8c: {  	_ =	sfence.sel $0x180000  }
0x8d: {  	[bflag:$0x0] =	sbarrier.arrive $0xFFFF  }
0x8e: {  	_ =	strace $0x9000004A  }
0x8f: {  	s0 =	stileid.u32;
	[bflag:$0x2] =	sbarrier.arrive $0xFFFF  }
0x90: {  	p0 =	sne.s32 s0, $0x0;
	s0 =	rddreg [dreg:$0x2]  }
0x91: {  	s0 =	sadd.s32 @!p0 $0x100000, s0  }
0x92: {  	[sflag:s0] =	ssyncadd.tile.s32 @!p0 $0x1;
	_ =	shalt  }
.Lfunc_end2:
_tile_overlayer_lowered:
.L_overlay_start_2:
0x93: {  	(tag) =	ssettag $0x2  }
0x94: {  	s0 =	rddreg [dreg:$0x0];
	s2 =	stileid.u32  }
0x95: {  	s1 =	rddreg [dreg:$0x1];
	p0 =	sne.s32 s2, $0x0  }
0x96: {  	s3 =	rddreg [dreg:$0x2];
	[bflag:$0x3] =	sbarrier.arrive $0xFFFF;
	s2 =	simm.s32 @!p0 $0x1C04  }
0x97: {  	[timem:s3], [sflag:s2] =	dma.local @!p0 [hbm:s0], s1  }
0x98: {  	s0 =	simm.s32 @!p0 $0x4  }
0x99: {  	_ =	swait.ge @!p0 [sflag:s0], s1  }
0x9a: {  	s1 =	ssub.s32 @!p0 $0x0, s1;
	[sflag:s0] =	ssyncset.done @!p0 $0x0  }
0x9b: {  	[sflag:s0] =	ssyncadd.s32 @!p0 s1  }
0x9c: {  	[bflag:$0x3] =	sbarrier.arrive $0xFFFF  }
0x9d: {  	_ =	shalt  }

// kernel: kernel.16.cloned.1.call-start
scs
__scs_entry_jumppad:
0x0: {  	(pc) =	sbr.rel $0x88, $3  }
0x1: {  	(tag) =	ssettag $0x0;
	lr =	simm.s32 $0x1  }
0x2: {  	[smem:$0x3F94] =	sst lr;
	_ =	strace $0xD0000000  }
0x3: {  	_ = 	snop  }
0x4: {  	_ = 	snop  }
0x5: {  	_ = 	snop  }
0x6: {  	_ = 	snop  }
0x7: {  	_ = 	snop  }
__scs_overlays_trampoline_lowered:
0x8: {  	[smem:$0x3FA3] =	sst s0  }
0x9: {  	[smem:$0x3FA4] =	sst s1  }
0xa: {  	[smem:$0x3FA5] =	sst s2  }
0xb: {  	[smem:$0x3FA6] =	sst s3  }
0xc: {  	[smem:$0x3FA7] =	sst s4  }
0xd: {  	[smem:$0x3FA8] =	sst s5  }
0xe: {  	[smem:$0x3FA9] =	sst s6  }
0xf: {  	[smem:$0x3FAA] =	sst s7  }
0x10: {  	[smem:$0x3FAB] =	sst s8  }
0x11: {  	[smem:$0x3FAC] =	sst s9;
	s0 =	simm.s32 @!p0 $0x0  }
0x12: {  	s1 =	sld [smem:$0x3F92];
	s0 =	simm.s32 @p0 $0x1  }
0x13: {  	[smem:$0x3FAD] =	sst s0;
	s0 =	simm.s32 @!p1 $0x0  }
0x14: {  	s2 =	sld [smem:$0x3F91];
	s0 =	simm.s32 @p1 $0x1  }
0x15: {  	[smem:$0x3FAE] =	sst s0;
	s0 =	simm.s32 @!p2 $0x0  }
0x16: {  	s3 =	sld [smem:$0x3FDB];
	s0 =	simm.s32 @p2 $0x1  }
0x17: {  	s4 =	simm.s32 $0x1BF5;
	[smem:$0x3FB0] =	sst s0  }
0x18: {  	s0 =	sld [smem:$0x3F93];
	_ =	swait.ge [sflag:s4], $0x0  }
0x19: {  	s7 =	sld [smem:$0x3F94]  }
0x1a: {  	s8 =	sadd.s32 $0xFFFFE003, lr  }
0x1b: {  	s9 =	sadd.s32 $0xFFFFFEF7, lr;
	s5 =	simm.s32 $0xFFFFFFFF;
	p2 =	slt.u32 s8, $0xFFFFF086  }
0x1c: {  	p1 =	slt.u32 s9, $0xF7A;
	s5 =	simm.s32 @!p2 $0x0  }
0x1d: {  	s5 =	simm.s32 @p1 $0x1;
	p0 =	seq.s32 s7, s2  }
0x1e: {  	s7 =	smul.u32 @!p0 $0xF7A, s2;
	p2 =	seq.s32 @!p0 s5, $0x0  }
0x1f: {  	s9 =	smul.u32 $0xF7A, s1;
	s8 =	simm.s32 @!p0 $0x1BF5;
	p2 =	por !p2, p0  }
0x20: {  	[sflag:s8] =	ssyncset.s32 @!p0 $0xFFFFF086;
	s6 =	sadd.s32 @!p0 s3, s7;
	s7 =	simm.s32 @!p0 $0x108  }
0x21: {  	s3 =	sadd.s32 s3, s9;
	s6 =	sadd.s32 @!p0 $0x88, s6;
	s7 =	simm.s32 @p2 $0x1082  }
0x22: {  	[simem:s7], [sflag:s8] =	dma.local @!p0 [hbm:s6], $0xF7A  }
0x23: {  	s9 =	sor.u32 $0xD0000000, s2;
	s6 =	simm.s32 $0x108;
	_ =	swait.ge @!p0 [sflag:s8], $0x0  }
0x24: {  	s3 =	sadd.s32 $0x88, s3;
	s6 =	simm.s32 @!p1 $0x1082;
	[sflag:s4] =	ssyncset.s32 $0xFFFFF086  }
0x25: {  	[simem:s6], [sflag:s4] =	dma.local [hbm:s3], $0xF7A  }
0x26: {  	[smem:$0x3F94] =	sst s1;
	(tag) =	ssettag s2;
	_ =	strace s9  }
0x27: {  	s1 =	sld [smem:$0x3FA4]  }
0x28: {  	s2 =	sld [smem:$0x3FA5]  }
0x29: {  	s4 =	sld [smem:$0x3FA7]  }
0x2a: {  	p0 =	seq.s32 s5, $0x0;
	s5 =	sld [smem:$0x3FA8]  }
0x2b: {  	s6 =	sld [smem:$0x3FA9]  }
0x2c: {  	s7 =	sld [smem:$0x3FAA]  }
0x2d: {  	s3 =	simm.s32 $0x108;
	s8 =	sld [smem:$0x3FAB]  }
0x2e: {  	s3 =	simm.s32 @!p0 $0x1082;
	s9 =	sld [smem:$0x3FAC]  }
0x2f: {  	lr =	sadd.s32 s0, s3;
	s0 =	sld [smem:$0x3FA3]  }
0x30: {  	s3 =	sld [smem:$0x3FA6]  }
0x31: {  	[smem:$0x3FAF] =	sst s10  }
0x32: {  	s10 =	sld [smem:$0x3FAD];
	_ =	sdelay $0x3  }
0x33: {  	p0 =	seq.s32 s10, $0x1;
	s10 =	sld [smem:$0x3FAF];
	_ =	sdelay $0x3  }
0x34: {  	[smem:$0x3FAF] =	sst s10  }
0x35: {  	s10 =	sld [smem:$0x3FAE];
	_ =	sdelay $0x3  }
0x36: {  	p1 =	seq.s32 s10, $0x1;
	s10 =	sld [smem:$0x3FAF];
	_ =	sdelay $0x3  }
0x37: {  	[smem:$0x3FAF] =	sst s10  }
0x38: {  	s10 =	sld [smem:$0x3FB0]  }
0x39: {  	_ = 	snop;
	(pc) =	sbr.ind lr, $3  }
0x3a: {  	_ = 	snop  }
0x3b: {  	_ = 	snop  }
0x3c: {  	p2 =	seq.s32 s10, $0x1;
	s10 =	sld [smem:$0x3FAF]  }
0x3d: {  	_ =	shalt  }
0x3e: {  	_ =	shalt  }
0x3f: {  	_ =	shalt  }
0x40: {  	_ =	shalt  }
0x41: {  	_ =	shalt  }
0x42: {  	_ =	shalt  }
0x43: {  	_ =	shalt  }
0x44: {  	_ =	shalt  }
0x45: {  	_ =	shalt  }
0x46: {  	_ =	shalt  }
0x47: {  	_ =	shalt  }
0x48: {  	_ =	shalt  }
0x49: {  	_ =	shalt  }
0x4a: {  	_ =	shalt  }
0x4b: {  	_ =	shalt  }
0x4c: {  	_ =	shalt  }
0x4d: {  	_ =	shalt  }
0x4e: {  	_ =	shalt  }
0x4f: {  	_ =	shalt  }
0x50: {  	_ =	shalt  }
0x51: {  	_ =	shalt  }
0x52: {  	_ =	shalt  }
0x53: {  	_ =	shalt  }
0x54: {  	_ =	shalt  }
0x55: {  	_ =	shalt  }
0x56: {  	_ =	shalt  }
0x57: {  	_ =	shalt  }
0x58: {  	_ =	shalt  }
0x59: {  	_ =	shalt  }
0x5a: {  	_ =	shalt  }
0x5b: {  	_ =	shalt  }
0x5c: {  	_ =	shalt  }
0x5d: {  	_ =	shalt  }
0x5e: {  	_ =	shalt  }
0x5f: {  	_ =	shalt  }
0x60: {  	_ =	shalt  }
0x61: {  	_ =	shalt  }
0x62: {  	_ =	shalt  }
0x63: {  	_ =	shalt  }
0x64: {  	_ =	shalt  }
0x65: {  	_ =	shalt  }
0x66: {  	_ =	shalt  }
0x67: {  	_ =	shalt  }
0x68: {  	_ =	shalt  }
0x69: {  	_ =	shalt  }
0x6a: {  	_ =	shalt  }
0x6b: {  	_ =	shalt  }
0x6c: {  	_ =	shalt  }
0x6d: {  	_ =	shalt  }
0x6e: {  	_ =	shalt  }
0x6f: {  	_ =	shalt  }
0x70: {  	_ =	shalt  }
0x71: {  	_ =	shalt  }
0x72: {  	_ =	shalt  }
0x73: {  	_ =	shalt  }
0x74: {  	_ =	shalt  }
0x75: {  	_ =	shalt  }
0x76: {  	_ =	shalt  }
0x77: {  	_ =	shalt  }
0x78: {  	_ =	shalt  }
0x79: {  	_ =	shalt  }
0x7a: {  	_ =	shalt  }
0x7b: {  	_ =	shalt  }
0x7c: {  	_ =	shalt  }
0x7d: {  	_ =	shalt  }
0x7e: {  	_ =	shalt  }
0x7f: {  	_ =	shalt  }
0x80: {  	_ =	shalt  }
0x81: {  	_ =	shalt  }
0x82: {  	_ =	shalt  }
0x83: {  	_ =	shalt  }
0x84: {  	_ =	shalt  }
0x85: {  	_ =	shalt  }
0x86: {  	_ =	shalt  }
0x87: {  	_ =	shalt  }
.Lfunc_end0:
.L_simem_size_0:
called_computation.2_lowered:
.L_overlay_start_0:
0x88: {  	s2 =	sld [smem:$0x3FD9]  }
0x89: {  	s3 =	sld [smem:$0x3FFE];
	_ =	sdelay $0x1  }
0x8a: {  	s1 =	srdreg.scid  }
0x8b: {  	s0 =	sand.u32 $0x1, s1  }
0x8c: {  	s16 =	sshll.u32 s0, $0xA;
	s2 =	sadd.s32 s3, s2  }
0x8d: {  	s2 =	sadd.s32 s2, s16  }
0x8e: {  	[smem:$0x3FBB] =	sst s2  }
0x8f: {  	_ = 	snop  }
0x90: {  	(tm) =	ssettm $0x1  }
0x91: {  	s17 =	sld [smem:$0x3FFB];
	_ =	sdelay $0x3  }
0x92: {  	_ =	strace s17  }
0x93: {  	s2 =	sld [smem:$0x3FFC];
	_ =	sdelay $0x3  }
0x94: {  	_ =	strace s2  }
0x95: {  	s2 =	sld [smem:$0x3FFD];
	_ =	sdelay $0x3  }
0x96: {  	_ =	strace s2  }
0x97: {  	_ =	strace $0x8FFFFFFF  }
0x98: {  	s18 =	sld [smem:$0x3FDB];
	_ =	sdelay $0x1  }
0x99: {  	s19 =	simm.s32 $_scs_section_size  }
0x9a: {  	s4 =	simm.s32 $_size__tile_overlayer_lowered;
	s5 =	simm.s32 $_tile_overlayer_lowered  }
0x9b: {  	s22 =	simm.s32 $0x1BFF;
	s21 =	sshll.u32 s5, $0x1;
	s2 =	sadd.s32 s19, s18  }
0x9c: {  	s6 =	simm.s32 $0x0;
	s20 =	sshll.u32 s4, $0x1;
	s4 =	sadd.s32 s21, s2  }
0x9d: {  	[timem:s6], [sflag:s22] =	dma.local [hbm:s4], s20  }
0x9e: {  	_ =	swait.ge [sflag:s22], s20  }
0x9f: {  	s3 =	ssub.s32 $0x0, s20;
	[sflag:s22] =	ssyncset.done $0x0  }
0xa0: {  	[sflag:s22] =	ssyncadd.s32 s3;
	_ =	sdelay $0x1  }
0xa1: {  	s23 =	simm.s32 $0x1B8B  }
0xa2: {  	_ =	swait.ge [sflag:s23], $0x1  }
0xa3: {  	[sflag:s23] =	ssyncset.done $0x0  }
0xa4: {  	s25 =	simm.s32 $0x1B8E;
	s24 =	sld [smem:$0x3FFE];
	[sflag:s23] =	ssyncadd.s32 $0xFFFFFFFF  }
0xa5: {  	s26 =	simm.s32 $execute0_lowered;
	[smem:$0x3FD2] =	sst s25  }
0xa6: {  	s4 =	sshll.u32 s26, $0x1;
	_ =	strace $0x8000004C;
	[dreg:$0x1] =	wrdreg $0xFFFFFFFF  }
0xa7: {  	s28 =	simm.s32 $_size_execute0_lowered;
	s2 =	sadd.s32 s2, s4;
	[dreg:$0x0] =	wrdreg $0x0  }
0xa8: {  	s4 =	sshll.u32 s28, $0x1;
	[dreg:$0x2] =	wrdreg s2  }
0xa9: {  	[dreg:$0x3] =	wrdreg s4  }
0xaa: {  	[dreg:$0x4] =	wrdreg $0xC0  }
0xab: {  	_ =	task [dreg:s6], $0x5FFFF  }
0xac: {  	[dreg:$0x1] =	wrdreg $0xFFFFFFFF  }
0xad: {  	[dreg:$0x0] =	wrdreg $0x60  }
0xae: {  	[dreg:$0x2] =	wrdreg s24  }
0xaf: {  	[dreg:$0x3] =	wrdreg $0x0  }
0xb0: {  	[dreg:$0x4] =	wrdreg $0x9  }
0xb1: {  	_ =	task.clear_ibuf [dreg:s6], $0x5FFFF;
	_ =	strace $0x9000004C  }
0xb2: {  	s29 =	simm.s32 $0x9;
	_ =	strace $0x8000004E  }
0xb3: {  	_ =	swait.ge [sflag:s29], $0x1  }
0xb4: {  	[sflag:s29] =	ssyncadd.s32 $0xFFFFFFFF  }
0xb5: {  	_ =	strace $0x9000004E  }
0xb6: {  	_ =	sfence  }
0xb7: {  	s30 =	sld [smem:$0x0];
	_ =	sdelay $0x2  }
0xb8: {  	s31 =	sshll.u32 s1, $0xD;
	s1 =	sshrl.u32 s1, $0x2  }
0xb9: {  	s3 =	sand.u32 $0x4000, s31;
	s1 =	sadd.s32 s1, s30  }
0xba: {  	s0 =	sor.u32 s3, s0;
	s1 =	sshll.u32 s1, $0x11  }
0xbb: {  	s0 =	sor.u32 s1, s0  }
0xbc: {  	s0 =	sadd.s32 $0x8F2B, s0  }
0xbd: {  	[sflag:s0] =	ssyncadd.remote.s32 $0x1  }
0xbe: {  	_ =	sfence.sel $0xFFFF  }
0xbf: {  	[dreg:$0x0] =	wrdreg $0xFFFFFFFF;
	(pc) =	sbr.abs _section_cstart, $3  }
0xc0: {  	[dreg:$0x1] =	wrdreg $0xFFFFFFFF  }
0xc1: {  	_ =	task.clear_ibuf [dreg:s6], $0x2FFFF;
	_ =	strace $0x9FFFFFFF  }
0xc2: {  	(tm) =	ssettm $0x7FFFFFFF  }
0xc3: {  	_ =	shalt  }
tec
execute0_lowered:
.L_overlay_start_1:
0x0: {  	(tag) =	ssettag $0x1  }
0x1: {  	s5 =	rddreg [dreg:$0x0]  }
0x2: {  	s2 =	rddreg [dreg:$0x1]  }
0x3: {  	s0 =	stileid.u32;
	s4 =	srdreg.scid;
	s3 =	simm.s32 $0x0  }
0x4: {  	s28 =	simm.s32 $0x2;
	s29 =	simm.s32 $0x3;
	s30 =	simm.s32 $0x0  }
0x5: {  	s6 =	smul.u32 $0x14000, s0;
	s7 =	sand.u32 $0x1, s4;
	[smem:$0x7FF] =	sst s3  }
0x6: {  	s4 =	sadd.s32 $0x2B200, s5;
	s16 =	sadd.s32 $0x17200, s5;
	s10 =	smul.u32 $0x50000, s0  }
0x7: {  	s15 =	sadd.s32 $0x21200, s5;
	s24 =	sshll.u32 s0, $0x6;
	s26 =	smul.u32 $0x2800, s0  }
0x8: {  	s8 =	smul.u32 $0x140000, s7;
	_ =	strace $0x8000004D;
	s19 =	ssub.s32 $0x2, s7  }
0x9: {  	s11 =	sshll.u32 s7, $0x4;
	s23 =	smul.u32 $0x28000, s7;
	s9 =	sshrl.u32 s6, $0x3  }
0xa: {  	s20 =	sshrl.u32 s19, $0x1;
	s21 =	sor.u32 s0, s11;
	s22 =	sshrl.u32 s10, $0x2  }
0xb: {  	s6 =	sadd.s32 s6, s8;
	s18 =	sadd.s32 s9, s5;
	s13 =	ssub.s32 s19, s20  }
0xc: {  	s17 =	sadd.s32 s22, s2;
	s19 =	simm.s32 $0x14000;
	s20 =	simm.s32 $0x14080  }
0xd: {  	s22 =	simm.s32 $0x14200;
	s6 =	sshrl.u32 s6, $0x3;
	s17 =	sshrl.u32 s17, $0x3  }
0xe: {  	s12 =	sadd.s32 s6, s5;
	s6 =	smul.u32 $0x2800, s21;
	s5 =	sadd.s32 $0x53200, s18  }
0xf: {  	s18 =	sadd.s32 s26, s23;
	s21 =	simm.s32 $0x80;
	s23 =	simm.s32 $0x14100  }
0x10: {  	s26 =	simm.s32 $0x18200;
	s11 =	sadd.s32 $0x7B200, s12;
	s31 =	sor.u32 $0x180, s18  }
0x11: {  	s12 =	smax.u32 s13, $0x1;
	s18 =	sor.u32 $0x100, s18;
	s25 =	sshrl.u32 s6, $0x3  }
0x12: {  	s6 =	sor.u32 $0x1C04, s24;
	s18 =	sshrl.u32 s18, $0x3;
	s24 =	simm.s32 $0x14180  }
0x13: {  	s7 =	sadd.s32 s16, s25;
	s14 =	sor.u32 $0x10, s25;
	s8 =	sadd.s32 s15, s25  }
0x14: {  	s9 =	sadd.s32 s16, s14;
	s10 =	sadd.s32 s15, s14;
	s14 =	sshrl.u32 s31, $0x3  }
0x15: {  	s25 =	simm.s32 $0x1;
	s13 =	sadd.s32 s14, s15;
	s14 =	sadd.s32 s14, s16  }
0x16: {  	s15 =	sadd.s32 s18, s15;
	s16 =	sadd.s32 s18, s16;
	s18 =	simm.s32 $0x4  }
.LBB2_1:
0x17: {  	[spmem:s17], [sflag:s6] =	dma.local [hbm:s5], $0x2800  }
0x18: {  	_ =	swait.ge [sflag:s18], $0x2800  }
0x19: {  	[sflag:s18] =	ssyncset.done $0x0  }
0x1a: {  	[sflag:s18] =	ssyncadd.s32 $0xFFFFD800  }
0x1b: {  	[bflag:$0x0] =	sbarrier.arrive $0xFFFF  }
0x1c: {  	[tilespmem:s19], [sflag:$0x4] =	stream.linear.gather [hbm4b:s7+s3], $0x80, $0x38;
	[tilespmem:$0x1C200] =	vst v63  }
0x1d: {  	_ =	swait.ge [sflag:s18], $0x80  }
0x1e: {  	[sflag:s18] =	ssyncset.done $0x0  }
0x1f: {  	[sflag:s18] =	ssyncadd.s32 $0xFFFFFF80  }
0x20: {  	[tilespmem:s20], [sflag:$0x4] =	stream.linear.gather [hbm4b:s8+s3], $0x80, $0x38;
	[tilespmem:$0x1C200] =	vst v63  }
0x21: {  	_ =	swait.ge [sflag:s18], $0x80  }
0x22: {  	[sflag:s18] =	ssyncset.done $0x0  }
0x23: {  	[sflag:s18] =	ssyncadd.s32 $0xFFFFFF80  }
0x24: {  	[tilespmem:s22], [sflag:$0x1] =	stream.indirect.gather [hbm4b:s4+s21], $0x80, s19, s21, $0xb8;
	[tilespmem:$0x1C200] =	vst v63  }
0x25: {  	_ = 	snop  }
0x26: {  	[tilespmem:s23], [sflag:$0x4] =	stream.linear.gather [hbm4b:s9+s3], $0x80, $0x38;
	[tilespmem:$0x1C200] =	vst v63  }
0x27: {  	_ =	swait.ge [sflag:s18], $0x80  }
0x28: {  	[sflag:s18] =	ssyncset.done $0x0  }
0x29: {  	[sflag:s18] =	ssyncadd.s32 $0xFFFFFF80  }
0x2a: {  	[tilespmem:s24], [sflag:$0x4] =	stream.linear.gather [hbm4b:s10+s3], $0x80, $0x38;
	[tilespmem:$0x1C200] =	vst v63  }
0x2b: {  	_ =	swait.ge [sflag:s18], $0x80  }
0x2c: {  	[sflag:s18] =	ssyncset.done $0x0  }
0x2d: {  	[sflag:s18] =	ssyncadd.s32 $0xFFFFFF80  }
0x2e: {  	_ =	swait.ge [sflag:s25], $0x4000  }
0x2f: {  	[sflag:s25] =	ssyncset.done $0x0  }
0x30: {  	[sflag:s25] =	ssyncadd.s32 $0xFFFFC000  }
0x31: {  	[tilespmem:s26], [sflag:$0x2] =	stream.indirect.gather [hbm4b:s4+s21], $0x80, s23, s21, $0xb8;
	[tilespmem:$0x1C200] =	vst v63  }
0x32: {  	_ = 	snop  }
0x33: {  	[spmem:s2] =	stream.indirect.scatter.add.f32 [tilespmem:s22], [sflag:$0x4], $0x80, s20, s21, $0xb8;
	[tilespmem:$0x1C200] =	vst v63  }
0x34: {  	_ =	swait.ge [sflag:s18], $0x4000  }
0x35: {  	[sflag:s18] =	ssyncset.done $0x0  }
0x36: {  	s31 =	sadd.s32 $0x0, s16;
	[sflag:s18] =	ssyncadd.s32 $0xFFFFC000  }
0x37: {  	[tilespmem:s19], [sflag:$0x3] =	stream.linear.gather [hbm4b:s31+s3], $0x80, $0x38;
	[tilespmem:$0x1C200] =	vst v63  }
0x38: {  	s31 =	sadd.s32 $0x0, s15  }
0x39: {  	[tilespmem:s20], [sflag:$0x3] =	stream.linear.gather [hbm4b:s31+s3], $0x80, $0x38;
	[tilespmem:$0x1C200] =	vst v63  }
0x3a: {  	_ =	swait.ge [sflag:s28], $0x4000  }
0x3b: {  	[sflag:s28] =	ssyncset.done $0x0  }
0x3c: {  	[sflag:s28] =	ssyncadd.s32 $0xFFFFC000  }
0x3d: {  	_ =	swait.ge [sflag:s29], $0x80  }
0x3e: {  	[sflag:s29] =	ssyncset.done $0x0  }
0x3f: {  	[sflag:s29] =	ssyncadd.s32 $0xFFFFFF80  }
0x40: {  	_ =	swait.ge [sflag:s29], $0x80  }
0x41: {  	[sflag:s29] =	ssyncset.done $0x0  }
0x42: {  	[sflag:s29] =	ssyncadd.s32 $0xFFFFFF80  }
0x43: {  	[tilespmem:s22], [sflag:$0x1] =	stream.indirect.gather [hbm4b:s4+s21], $0x80, s19, s21, $0xb8;
	[tilespmem:$0x1C200] =	vst v63  }
0x44: {  	_ = 	snop  }
0x45: {  	[spmem:s2] =	stream.indirect.scatter.add.f32 [tilespmem:s26], [sflag:$0x4], $0x80, s24, s21, $0xb8;
	[tilespmem:$0x1C200] =	vst v63  }
0x46: {  	_ =	swait.ge [sflag:s18], $0x4000  }
0x47: {  	[sflag:s18] =	ssyncset.done $0x0  }
0x48: {  	s31 =	sadd.s32 $0x0, s14;
	[sflag:s18] =	ssyncadd.s32 $0xFFFFC000  }
0x49: {  	[tilespmem:s23], [sflag:$0x3] =	stream.linear.gather [hbm4b:s31+s3], $0x80, $0x38;
	[tilespmem:$0x1C200] =	vst v63  }
0x4a: {  	s31 =	sadd.s32 $0x0, s13  }
0x4b: {  	[tilespmem:s24], [sflag:$0x3] =	stream.linear.gather [hbm4b:s31+s3], $0x80, $0x38;
	[tilespmem:$0x1C200] =	vst v63  }
0x4c: {  	_ =	swait.ge [sflag:s25], $0x4000  }
0x4d: {  	[sflag:s25] =	ssyncset.done $0x0  }
0x4e: {  	[sflag:s25] =	ssyncadd.s32 $0xFFFFC000  }
0x4f: {  	_ =	swait.ge [sflag:s29], $0x80  }
0x50: {  	[sflag:s29] =	ssyncset.done $0x0  }
0x51: {  	[sflag:s29] =	ssyncadd.s32 $0xFFFFFF80  }
0x52: {  	_ =	swait.ge [sflag:s29], $0x80  }
0x53: {  	s31 =	simm.s32 $0x20;
	[sflag:s29] =	ssyncset.done $0x0  }
.LBB2_2:
0x54: {  	p0 =	sne.s32 s31, $0x4C0  }
0x55: {  	[sflag:s29] =	ssyncadd.s32 $0xFFFFFF80;
	s0 =	smov.u32 s31;
	s31 =	sadd.s32 $0x20, s31  }
0x56: {  	[tilespmem:s26], [sflag:$0x2] =	stream.indirect.gather [hbm4b:s4+s21], $0x80, s23, s21, $0xb8;
	[tilespmem:$0x1C200] =	vst v63  }
0x57: {  	_ = 	snop  }
0x58: {  	[spmem:s2] =	stream.indirect.scatter.add.f32 [tilespmem:s22], [sflag:$0x4], $0x80, s20, s21, $0xb8;
	[tilespmem:$0x1C200] =	vst v63  }
0x59: {  	_ =	swait.ge [sflag:s18], $0x4000  }
0x5a: {  	[sflag:s18] =	ssyncset.done $0x0  }
0x5b: {  	s1 =	sadd.s32 s0, s16;
	[sflag:s18] =	ssyncadd.s32 $0xFFFFC000  }
0x5c: {  	[tilespmem:s19], [sflag:$0x3] =	stream.linear.gather [hbm4b:s1+s3], $0x80, $0x38;
	[tilespmem:$0x1C200] =	vst v63  }
0x5d: {  	s1 =	sadd.s32 s0, s15  }
0x5e: {  	[tilespmem:s20], [sflag:$0x3] =	stream.linear.gather [hbm4b:s1+s3], $0x80, $0x38;
	[tilespmem:$0x1C200] =	vst v63  }
0x5f: {  	_ =	swait.ge [sflag:s28], $0x4000  }
0x60: {  	[sflag:s28] =	ssyncset.done $0x0  }
0x61: {  	[sflag:s28] =	ssyncadd.s32 $0xFFFFC000  }
0x62: {  	_ =	swait.ge [sflag:s29], $0x80  }
0x63: {  	[sflag:s29] =	ssyncset.done $0x0  }
0x64: {  	[sflag:s29] =	ssyncadd.s32 $0xFFFFFF80  }
0x65: {  	_ =	swait.ge [sflag:s29], $0x80  }
0x66: {  	[sflag:s29] =	ssyncset.done $0x0  }
0x67: {  	[sflag:s29] =	ssyncadd.s32 $0xFFFFFF80  }
0x68: {  	[tilespmem:s22], [sflag:$0x1] =	stream.indirect.gather [hbm4b:s4+s21], $0x80, s19, s21, $0xb8;
	[tilespmem:$0x1C200] =	vst v63  }
0x69: {  	_ = 	snop  }
0x6a: {  	[spmem:s2] =	stream.indirect.scatter.add.f32 [tilespmem:s26], [sflag:$0x4], $0x80, s24, s21, $0xb8;
	[tilespmem:$0x1C200] =	vst v63  }
0x6b: {  	_ =	swait.ge [sflag:s18], $0x4000  }
0x6c: {  	[sflag:s18] =	ssyncset.done $0x0  }
0x6d: {  	s1 =	sadd.s32 s0, s14;
	[sflag:s18] =	ssyncadd.s32 $0xFFFFC000  }
0x6e: {  	[tilespmem:s23], [sflag:$0x3] =	stream.linear.gather [hbm4b:s1+s3], $0x80, $0x38;
	[tilespmem:$0x1C200] =	vst v63  }
0x6f: {  	s0 =	sadd.s32 s0, s13  }
0x70: {  	[tilespmem:s24], [sflag:$0x3] =	stream.linear.gather [hbm4b:s0+s3], $0x80, $0x38;
	[tilespmem:$0x1C200] =	vst v63  }
0x71: {  	_ =	swait.ge [sflag:s25], $0x4000  }
0x72: {  	[sflag:s25] =	ssyncset.done $0x0  }
0x73: {  	[sflag:s25] =	ssyncadd.s32 $0xFFFFC000  }
.Ltmp0:
0x74: {  	_ =	swait.ge [sflag:s29], $0x80;
	(pc) =	sbr.rel @p0 .LBB2_2-.Ltmp0, $4  }
0x75: {  	[sflag:s29] =	ssyncset.done $0x0  }
0x76: {  	[sflag:s29] =	ssyncadd.s32 $0xFFFFFF80  }
0x77: {  	_ =	swait.ge [sflag:s29], $0x80  }
0x78: {  	[sflag:s29] =	ssyncset.done $0x0  }
0x79: {  	[sflag:s29] =	ssyncadd.s32 $0xFFFFFF80  }
0x7a: {  	[tilespmem:s26], [sflag:$0x2] =	stream.indirect.gather [hbm4b:s4+s21], $0x80, s23, s21, $0xb8;
	[tilespmem:$0x1C200] =	vst v63  }
0x7b: {  	_ = 	snop  }
0x7c: {  	[spmem:s2] =	stream.indirect.scatter.add.f32 [tilespmem:s22], [sflag:$0x4], $0x80, s20, s21, $0xb8;
	[tilespmem:$0x1C200] =	vst v63  }
0x7d: {  	_ =	swait.ge [sflag:s18], $0x4000  }
0x7e: {  	[sflag:s18] =	ssyncset.done $0x0  }
0x7f: {  	[sflag:s18] =	ssyncadd.s32 $0xFFFFC000  }
0x80: {  	_ =	swait.ge [sflag:s28], $0x4000  }
0x81: {  	[sflag:s28] =	ssyncset.done $0x0  }
0x82: {  	[sflag:s28] =	ssyncadd.s32 $0xFFFFC000  }
0x83: {  	[spmem:s2] =	stream.indirect.scatter.add.f32 [tilespmem:s26], [sflag:$0x4], $0x80, s24, s21, $0xb8;
	[tilespmem:$0x1C200] =	vst v63  }
0x84: {  	_ =	swait.ge [sflag:s18], $0x4000  }
0x85: {  	s30 =	sadd.s32 $0x1, s30;
	[sflag:s18] =	ssyncset.done $0x0  }
0x86: {  	p0 =	sne.s32 s30, s12;
	[sflag:s18] =	ssyncadd.s32 $0xFFFFC000  }
.Ltmp1:
0x87: {  	[bflag:$0x0] =	sbarrier.arrive $0xFFFF;
	(pc) =	sbr.rel @p0 .LBB2_1-.Ltmp1, $4  }
0x88: {  	[hbm:s11], [sflag:s6] =	dma.local [spmem:s17], $0x2800  }
0x89: {  	_ =	swait.ge [sflag:s18], $0x2800  }
0x8a: {  	[sflag:s18] =	ssyncset.done $0x0  }
0x8b: {  	[sflag:s18] =	ssyncadd.s32 $0xFFFFD800  }
0x8c: {  	_ =	sfence.sel $0x180000  }
0x8d: {  	[bflag:$0x0] =	sbarrier.arrive $0xFFFF  }
0x8e: {  	_ =	strace $0x9000004D  }
0x8f: {  	s0 =	stileid.u32;
	[bflag:$0x2] =	sbarrier.arrive $0xFFFF  }
0x90: {  	p0 =	sne.s32 s0, $0x0;
	s0 =	rddreg [dreg:$0x2]  }
0x91: {  	s0 =	sadd.s32 @!p0 $0x100000, s0  }
0x92: {  	[sflag:s0] =	ssyncadd.tile.s32 @!p0 $0x1;
	_ =	shalt  }
.Lfunc_end2:
_tile_overlayer_lowered:
.L_overlay_start_2:
0x93: {  	(tag) =	ssettag $0x2  }
0x94: {  	s0 =	rddreg [dreg:$0x0];
	s2 =	stileid.u32  }
0x95: {  	s1 =	rddreg [dreg:$0x1];
	p0 =	sne.s32 s2, $0x0  }
0x96: {  	s3 =	rddreg [dreg:$0x2];
	[bflag:$0x3] =	sbarrier.arrive $0xFFFF;
	s2 =	simm.s32 @!p0 $0x1C04  }
0x97: {  	[timem:s3], [sflag:s2] =	dma.local @!p0 [hbm:s0], s1  }
0x98: {  	s0 =	simm.s32 @!p0 $0x4  }
0x99: {  	_ =	swait.ge @!p0 [sflag:s0], s1  }
0x9a: {  	s1 =	ssub.s32 @!p0 $0x0, s1;
	[sflag:s0] =	ssyncset.done @!p0 $0x0  }
0x9b: {  	[sflag:s0] =	ssyncadd.s32 @!p0 s1  }
0x9c: {  	[bflag:$0x3] =	sbarrier.arrive $0xFFFF  }
0x9d: {  	_ =	shalt  }

// kernel: kernel.19.cloned.1.call-start
scs
__scs_entry_jumppad:
0x0: {  	(pc) =	sbr.rel $0x88, $3  }
0x1: {  	(tag) =	ssettag $0x0;
	lr =	simm.s32 $0x1  }
0x2: {  	[smem:$0x3F94] =	sst lr;
	_ =	strace $0xD0000000  }
0x3: {  	_ = 	snop  }
0x4: {  	_ = 	snop  }
0x5: {  	_ = 	snop  }
0x6: {  	_ = 	snop  }
0x7: {  	_ = 	snop  }
__scs_overlays_trampoline_lowered:
0x8: {  	[smem:$0x3FA3] =	sst s0  }
0x9: {  	[smem:$0x3FA4] =	sst s1  }
0xa: {  	[smem:$0x3FA5] =	sst s2  }
0xb: {  	[smem:$0x3FA6] =	sst s3  }
0xc: {  	[smem:$0x3FA7] =	sst s4  }
0xd: {  	[smem:$0x3FA8] =	sst s5  }
0xe: {  	[smem:$0x3FA9] =	sst s6  }
0xf: {  	[smem:$0x3FAA] =	sst s7  }
0x10: {  	[smem:$0x3FAB] =	sst s8  }
0x11: {  	[smem:$0x3FAC] =	sst s9;
	s0 =	simm.s32 @!p0 $0x0  }
0x12: {  	s1 =	sld [smem:$0x3F92];
	s0 =	simm.s32 @p0 $0x1  }
0x13: {  	[smem:$0x3FAD] =	sst s0;
	s0 =	simm.s32 @!p1 $0x0  }
0x14: {  	s2 =	sld [smem:$0x3F91];
	s0 =	simm.s32 @p1 $0x1  }
0x15: {  	[smem:$0x3FAE] =	sst s0;
	s0 =	simm.s32 @!p2 $0x0  }
0x16: {  	s3 =	sld [smem:$0x3FDB];
	s0 =	simm.s32 @p2 $0x1  }
0x17: {  	s4 =	simm.s32 $0x1BF5;
	[smem:$0x3FB0] =	sst s0  }
0x18: {  	s0 =	sld [smem:$0x3F93];
	_ =	swait.ge [sflag:s4], $0x0  }
0x19: {  	s7 =	sld [smem:$0x3F94]  }
0x1a: {  	s8 =	sadd.s32 $0xFFFFE003, lr  }
0x1b: {  	s9 =	sadd.s32 $0xFFFFFEF7, lr;
	s5 =	simm.s32 $0xFFFFFFFF;
	p2 =	slt.u32 s8, $0xFFFFF086  }
0x1c: {  	p1 =	slt.u32 s9, $0xF7A;
	s5 =	simm.s32 @!p2 $0x0  }
0x1d: {  	s5 =	simm.s32 @p1 $0x1;
	p0 =	seq.s32 s7, s2  }
0x1e: {  	s7 =	smul.u32 @!p0 $0xF7A, s2;
	p2 =	seq.s32 @!p0 s5, $0x0  }
0x1f: {  	s9 =	smul.u32 $0xF7A, s1;
	s8 =	simm.s32 @!p0 $0x1BF5;
	p2 =	por !p2, p0  }
0x20: {  	[sflag:s8] =	ssyncset.s32 @!p0 $0xFFFFF086;
	s6 =	sadd.s32 @!p0 s3, s7;
	s7 =	simm.s32 @!p0 $0x108  }
0x21: {  	s3 =	sadd.s32 s3, s9;
	s6 =	sadd.s32 @!p0 $0x88, s6;
	s7 =	simm.s32 @p2 $0x1082  }
0x22: {  	[simem:s7], [sflag:s8] =	dma.local @!p0 [hbm:s6], $0xF7A  }
0x23: {  	s9 =	sor.u32 $0xD0000000, s2;
	s6 =	simm.s32 $0x108;
	_ =	swait.ge @!p0 [sflag:s8], $0x0  }
0x24: {  	s3 =	sadd.s32 $0x88, s3;
	s6 =	simm.s32 @!p1 $0x1082;
	[sflag:s4] =	ssyncset.s32 $0xFFFFF086  }
0x25: {  	[simem:s6], [sflag:s4] =	dma.local [hbm:s3], $0xF7A  }
0x26: {  	[smem:$0x3F94] =	sst s1;
	(tag) =	ssettag s2;
	_ =	strace s9  }
0x27: {  	s1 =	sld [smem:$0x3FA4]  }
0x28: {  	s2 =	sld [smem:$0x3FA5]  }
0x29: {  	s4 =	sld [smem:$0x3FA7]  }
0x2a: {  	p0 =	seq.s32 s5, $0x0;
	s5 =	sld [smem:$0x3FA8]  }
0x2b: {  	s6 =	sld [smem:$0x3FA9]  }
0x2c: {  	s7 =	sld [smem:$0x3FAA]  }
0x2d: {  	s3 =	simm.s32 $0x108;
	s8 =	sld [smem:$0x3FAB]  }
0x2e: {  	s3 =	simm.s32 @!p0 $0x1082;
	s9 =	sld [smem:$0x3FAC]  }
0x2f: {  	lr =	sadd.s32 s0, s3;
	s0 =	sld [smem:$0x3FA3]  }
0x30: {  	s3 =	sld [smem:$0x3FA6]  }
0x31: {  	[smem:$0x3FAF] =	sst s10  }
0x32: {  	s10 =	sld [smem:$0x3FAD];
	_ =	sdelay $0x3  }
0x33: {  	p0 =	seq.s32 s10, $0x1;
	s10 =	sld [smem:$0x3FAF];
	_ =	sdelay $0x3  }
0x34: {  	[smem:$0x3FAF] =	sst s10  }
0x35: {  	s10 =	sld [smem:$0x3FAE];
	_ =	sdelay $0x3  }
0x36: {  	p1 =	seq.s32 s10, $0x1;
	s10 =	sld [smem:$0x3FAF];
	_ =	sdelay $0x3  }
0x37: {  	[smem:$0x3FAF] =	sst s10  }
0x38: {  	s10 =	sld [smem:$0x3FB0]  }
0x39: {  	_ = 	snop;
	(pc) =	sbr.ind lr, $3  }
0x3a: {  	_ = 	snop  }
0x3b: {  	_ = 	snop  }
0x3c: {  	p2 =	seq.s32 s10, $0x1;
	s10 =	sld [smem:$0x3FAF]  }
0x3d: {  	_ =	shalt  }
0x3e: {  	_ =	shalt  }
0x3f: {  	_ =	shalt  }
0x40: {  	_ =	shalt  }
0x41: {  	_ =	shalt  }
0x42: {  	_ =	shalt  }
0x43: {  	_ =	shalt  }
0x44: {  	_ =	shalt  }
0x45: {  	_ =	shalt  }
0x46: {  	_ =	shalt  }
0x47: {  	_ =	shalt  }
0x48: {  	_ =	shalt  }
0x49: {  	_ =	shalt  }
0x4a: {  	_ =	shalt  }
0x4b: {  	_ =	shalt  }
0x4c: {  	_ =	shalt  }
0x4d: {  	_ =	shalt  }
0x4e: {  	_ =	shalt  }
0x4f: {  	_ =	shalt  }
0x50: {  	_ =	shalt  }
0x51: {  	_ =	shalt  }
0x52: {  	_ =	shalt  }
0x53: {  	_ =	shalt  }
0x54: {  	_ =	shalt  }
0x55: {  	_ =	shalt  }
0x56: {  	_ =	shalt  }
0x57: {  	_ =	shalt  }
0x58: {  	_ =	shalt  }
0x59: {  	_ =	shalt  }
0x5a: {  	_ =	shalt  }
0x5b: {  	_ =	shalt  }
0x5c: {  	_ =	shalt  }
0x5d: {  	_ =	shalt  }
0x5e: {  	_ =	shalt  }
0x5f: {  	_ =	shalt  }
0x60: {  	_ =	shalt  }
0x61: {  	_ =	shalt  }
0x62: {  	_ =	shalt  }
0x63: {  	_ =	shalt  }
0x64: {  	_ =	shalt  }
0x65: {  	_ =	shalt  }
0x66: {  	_ =	shalt  }
0x67: {  	_ =	shalt  }
0x68: {  	_ =	shalt  }
0x69: {  	_ =	shalt  }
0x6a: {  	_ =	shalt  }
0x6b: {  	_ =	shalt  }
0x6c: {  	_ =	shalt  }
0x6d: {  	_ =	shalt  }
0x6e: {  	_ =	shalt  }
0x6f: {  	_ =	shalt  }
0x70: {  	_ =	shalt  }
0x71: {  	_ =	shalt  }
0x72: {  	_ =	shalt  }
0x73: {  	_ =	shalt  }
0x74: {  	_ =	shalt  }
0x75: {  	_ =	shalt  }
0x76: {  	_ =	shalt  }
0x77: {  	_ =	shalt  }
0x78: {  	_ =	shalt  }
0x79: {  	_ =	shalt  }
0x7a: {  	_ =	shalt  }
0x7b: {  	_ =	shalt  }
0x7c: {  	_ =	shalt  }
0x7d: {  	_ =	shalt  }
0x7e: {  	_ =	shalt  }
0x7f: {  	_ =	shalt  }
0x80: {  	_ =	shalt  }
0x81: {  	_ =	shalt  }
0x82: {  	_ =	shalt  }
0x83: {  	_ =	shalt  }
0x84: {  	_ =	shalt  }
0x85: {  	_ =	shalt  }
0x86: {  	_ =	shalt  }
0x87: {  	_ =	shalt  }
.Lfunc_end0:
.L_simem_size_0:
called_computation.3_lowered:
.L_overlay_start_0:
0x88: {  	s2 =	sld [smem:$0x3FD9]  }
0x89: {  	s3 =	sld [smem:$0x3FFE];
	_ =	sdelay $0x1  }
0x8a: {  	s1 =	srdreg.scid  }
0x8b: {  	s0 =	sand.u32 $0x1, s1  }
0x8c: {  	s16 =	sshll.u32 s0, $0xA;
	s2 =	sadd.s32 s3, s2  }
0x8d: {  	s2 =	sadd.s32 s2, s16  }
0x8e: {  	[smem:$0x3FBB] =	sst s2  }
0x8f: {  	_ = 	snop  }
0x90: {  	(tm) =	ssettm $0x1  }
0x91: {  	s17 =	sld [smem:$0x3FFB];
	_ =	sdelay $0x3  }
0x92: {  	_ =	strace s17  }
0x93: {  	s2 =	sld [smem:$0x3FFC];
	_ =	sdelay $0x3  }
0x94: {  	_ =	strace s2  }
0x95: {  	s2 =	sld [smem:$0x3FFD];
	_ =	sdelay $0x3  }
0x96: {  	_ =	strace s2  }
0x97: {  	_ =	strace $0x8FFFFFFF  }
0x98: {  	s18 =	sld [smem:$0x3FDB];
	_ =	sdelay $0x1  }
0x99: {  	s19 =	simm.s32 $_scs_section_size  }
0x9a: {  	s4 =	simm.s32 $_size__tile_overlayer_lowered;
	s5 =	simm.s32 $_tile_overlayer_lowered  }
0x9b: {  	s22 =	simm.s32 $0x1BFF;
	s21 =	sshll.u32 s5, $0x1;
	s2 =	sadd.s32 s19, s18  }
0x9c: {  	s6 =	simm.s32 $0x0;
	s20 =	sshll.u32 s4, $0x1;
	s4 =	sadd.s32 s21, s2  }
0x9d: {  	[timem:s6], [sflag:s22] =	dma.local [hbm:s4], s20  }
0x9e: {  	_ =	swait.ge [sflag:s22], s20  }
0x9f: {  	s3 =	ssub.s32 $0x0, s20;
	[sflag:s22] =	ssyncset.done $0x0  }
0xa0: {  	[sflag:s22] =	ssyncadd.s32 s3;
	_ =	sdelay $0x1  }
0xa1: {  	s23 =	simm.s32 $0x1B8B  }
0xa2: {  	_ =	swait.ge [sflag:s23], $0x1  }
0xa3: {  	[sflag:s23] =	ssyncset.done $0x0  }
0xa4: {  	s25 =	simm.s32 $0x1B8E;
	s24 =	sld [smem:$0x3FFE];
	[sflag:s23] =	ssyncadd.s32 $0xFFFFFFFF  }
0xa5: {  	s26 =	simm.s32 $execute0_lowered;
	[smem:$0x3FD2] =	sst s25  }
0xa6: {  	s4 =	sshll.u32 s26, $0x1;
	_ =	strace $0x8000004F;
	[dreg:$0x1] =	wrdreg $0xFFFFFFFF  }
0xa7: {  	s28 =	simm.s32 $_size_execute0_lowered;
	s2 =	sadd.s32 s2, s4;
	[dreg:$0x0] =	wrdreg $0x0  }
0xa8: {  	s4 =	sshll.u32 s28, $0x1;
	[dreg:$0x2] =	wrdreg s2  }
0xa9: {  	[dreg:$0x3] =	wrdreg s4  }
0xaa: {  	[dreg:$0x4] =	wrdreg $0xC0  }
0xab: {  	_ =	task [dreg:s6], $0x5FFFF  }
0xac: {  	[dreg:$0x1] =	wrdreg $0xFFFFFFFF  }
0xad: {  	[dreg:$0x0] =	wrdreg $0x60  }
0xae: {  	[dreg:$0x2] =	wrdreg s24  }
0xaf: {  	[dreg:$0x3] =	wrdreg $0x0  }
0xb0: {  	[dreg:$0x4] =	wrdreg $0x9  }
0xb1: {  	_ =	task.clear_ibuf [dreg:s6], $0x5FFFF;
	_ =	strace $0x9000004F  }
0xb2: {  	s29 =	simm.s32 $0x9;
	_ =	strace $0x80000051  }
0xb3: {  	_ =	swait.ge [sflag:s29], $0x1  }
0xb4: {  	[sflag:s29] =	ssyncadd.s32 $0xFFFFFFFF  }
0xb5: {  	_ =	strace $0x90000051  }
0xb6: {  	_ =	sfence  }
0xb7: {  	s30 =	sld [smem:$0x0];
	_ =	sdelay $0x2  }
0xb8: {  	s31 =	sshll.u32 s1, $0xD;
	s1 =	sshrl.u32 s1, $0x2  }
0xb9: {  	s3 =	sand.u32 $0x4000, s31;
	s1 =	sadd.s32 s1, s30  }
0xba: {  	s0 =	sor.u32 s3, s0;
	s1 =	sshll.u32 s1, $0x11  }
0xbb: {  	s0 =	sor.u32 s1, s0  }
0xbc: {  	s0 =	sadd.s32 $0x8F2B, s0  }
0xbd: {  	[sflag:s0] =	ssyncadd.remote.s32 $0x1  }
0xbe: {  	_ =	sfence.sel $0xFFFF  }
0xbf: {  	[dreg:$0x0] =	wrdreg $0xFFFFFFFF;
	(pc) =	sbr.abs _section_cstart, $3  }
0xc0: {  	[dreg:$0x1] =	wrdreg $0xFFFFFFFF  }
0xc1: {  	_ =	task.clear_ibuf [dreg:s6], $0x2FFFF;
	_ =	strace $0x9FFFFFFF  }
0xc2: {  	(tm) =	ssettm $0x7FFFFFFF  }
0xc3: {  	_ =	shalt  }
tec
execute0_lowered:
.L_overlay_start_1:
0x0: {  	(tag) =	ssettag $0x1  }
0x1: {  	s5 =	rddreg [dreg:$0x0]  }
0x2: {  	s2 =	rddreg [dreg:$0x1]  }
0x3: {  	s0 =	stileid.u32;
	s4 =	srdreg.scid;
	s3 =	simm.s32 $0x0  }
0x4: {  	s28 =	simm.s32 $0x2;
	s29 =	simm.s32 $0x3;
	s30 =	simm.s32 $0x0  }
0x5: {  	s6 =	smul.u32 $0x14000, s0;
	s7 =	sand.u32 $0x1, s4;
	[smem:$0x7FF] =	sst s3  }
0x6: {  	s4 =	sadd.s32 $0x2B200, s5;
	s16 =	sadd.s32 $0x17200, s5;
	s10 =	smul.u32 $0x50000, s0  }
0x7: {  	s15 =	sadd.s32 $0x21200, s5;
	s24 =	sshll.u32 s0, $0x6;
	s26 =	smul.u32 $0x2800, s0  }
0x8: {  	s8 =	smul.u32 $0x140000, s7;
	_ =	strace $0x80000050;
	s19 =	ssub.s32 $0x2, s7  }
0x9: {  	s11 =	sshll.u32 s7, $0x4;
	s23 =	smul.u32 $0x28000, s7;
	s9 =	sshrl.u32 s6, $0x3  }
0xa: {  	s20 =	sshrl.u32 s19, $0x1;
	s21 =	sor.u32 s0, s11;
	s22 =	sshrl.u32 s10, $0x2  }
0xb: {  	s6 =	sadd.s32 s6, s8;
	s18 =	sadd.s32 s9, s5;
	s13 =	ssub.s32 s19, s20  }
0xc: {  	s17 =	sadd.s32 s22, s2;
	s19 =	simm.s32 $0x14000;
	s20 =	simm.s32 $0x14080  }
0xd: {  	s22 =	simm.s32 $0x14200;
	s6 =	sshrl.u32 s6, $0x3;
	s17 =	sshrl.u32 s17, $0x3  }
0xe: {  	s12 =	sadd.s32 s6, s5;
	s6 =	smul.u32 $0x2800, s21;
	s5 =	sadd.s32 $0x53200, s18  }
0xf: {  	s18 =	sadd.s32 s26, s23;
	s21 =	simm.s32 $0x80;
	s23 =	simm.s32 $0x14100  }
0x10: {  	s26 =	simm.s32 $0x18200;
	s11 =	sadd.s32 $0x7B200, s12;
	s31 =	sor.u32 $0x180, s18  }
0x11: {  	s12 =	smax.u32 s13, $0x1;
	s18 =	sor.u32 $0x100, s18;
	s25 =	sshrl.u32 s6, $0x3  }
0x12: {  	s6 =	sor.u32 $0x1C04, s24;
	s18 =	sshrl.u32 s18, $0x3;
	s24 =	simm.s32 $0x14180  }
0x13: {  	s7 =	sadd.s32 s16, s25;
	s14 =	sor.u32 $0x10, s25;
	s8 =	sadd.s32 s15, s25  }
0x14: {  	s9 =	sadd.s32 s16, s14;
	s10 =	sadd.s32 s15, s14;
	s14 =	sshrl.u32 s31, $0x3  }
0x15: {  	s25 =	simm.s32 $0x1;
	s13 =	sadd.s32 s14, s15;
	s14 =	sadd.s32 s14, s16  }
0x16: {  	s15 =	sadd.s32 s18, s15;
	s16 =	sadd.s32 s18, s16;
	s18 =	simm.s32 $0x4  }
.LBB2_1:
0x17: {  	[spmem:s17], [sflag:s6] =	dma.local [hbm:s5], $0x2800  }
0x18: {  	_ =	swait.ge [sflag:s18], $0x2800  }
0x19: {  	[sflag:s18] =	ssyncset.done $0x0  }
0x1a: {  	[sflag:s18] =	ssyncadd.s32 $0xFFFFD800  }
0x1b: {  	[bflag:$0x0] =	sbarrier.arrive $0xFFFF  }
0x1c: {  	[tilespmem:s19], [sflag:$0x4] =	stream.linear.gather [hbm4b:s7+s3], $0x80, $0x38;
	[tilespmem:$0x1C200] =	vst v63  }
0x1d: {  	_ =	swait.ge [sflag:s18], $0x80  }
0x1e: {  	[sflag:s18] =	ssyncset.done $0x0  }
0x1f: {  	[sflag:s18] =	ssyncadd.s32 $0xFFFFFF80  }
0x20: {  	[tilespmem:s20], [sflag:$0x4] =	stream.linear.gather [hbm4b:s8+s3], $0x80, $0x38;
	[tilespmem:$0x1C200] =	vst v63  }
0x21: {  	_ =	swait.ge [sflag:s18], $0x80  }
0x22: {  	[sflag:s18] =	ssyncset.done $0x0  }
0x23: {  	[sflag:s18] =	ssyncadd.s32 $0xFFFFFF80  }
0x24: {  	[tilespmem:s22], [sflag:$0x1] =	stream.indirect.gather [hbm4b:s4+s21], $0x80, s19, s21, $0xb8;
	[tilespmem:$0x1C200] =	vst v63  }
0x25: {  	_ = 	snop  }
0x26: {  	[tilespmem:s23], [sflag:$0x4] =	stream.linear.gather [hbm4b:s9+s3], $0x80, $0x38;
	[tilespmem:$0x1C200] =	vst v63  }
0x27: {  	_ =	swait.ge [sflag:s18], $0x80  }
0x28: {  	[sflag:s18] =	ssyncset.done $0x0  }
0x29: {  	[sflag:s18] =	ssyncadd.s32 $0xFFFFFF80  }
0x2a: {  	[tilespmem:s24], [sflag:$0x4] =	stream.linear.gather [hbm4b:s10+s3], $0x80, $0x38;
	[tilespmem:$0x1C200] =	vst v63  }
0x2b: {  	_ =	swait.ge [sflag:s18], $0x80  }
0x2c: {  	[sflag:s18] =	ssyncset.done $0x0  }
0x2d: {  	[sflag:s18] =	ssyncadd.s32 $0xFFFFFF80  }
0x2e: {  	_ =	swait.ge [sflag:s25], $0x4000  }
0x2f: {  	[sflag:s25] =	ssyncset.done $0x0  }
0x30: {  	[sflag:s25] =	ssyncadd.s32 $0xFFFFC000  }
0x31: {  	[tilespmem:s26], [sflag:$0x2] =	stream.indirect.gather [hbm4b:s4+s21], $0x80, s23, s21, $0xb8;
	[tilespmem:$0x1C200] =	vst v63  }
0x32: {  	_ = 	snop  }
0x33: {  	[spmem:s2] =	stream.indirect.scatter.add.f32 [tilespmem:s22], [sflag:$0x4], $0x80, s20, s21, $0xb8;
	[tilespmem:$0x1C200] =	vst v63  }
0x34: {  	_ =	swait.ge [sflag:s18], $0x4000  }
0x35: {  	[sflag:s18] =	ssyncset.done $0x0  }
0x36: {  	s31 =	sadd.s32 $0x0, s16;
	[sflag:s18] =	ssyncadd.s32 $0xFFFFC000  }
0x37: {  	[tilespmem:s19], [sflag:$0x3] =	stream.linear.gather [hbm4b:s31+s3], $0x80, $0x38;
	[tilespmem:$0x1C200] =	vst v63  }
0x38: {  	s31 =	sadd.s32 $0x0, s15  }
0x39: {  	[tilespmem:s20], [sflag:$0x3] =	stream.linear.gather [hbm4b:s31+s3], $0x80, $0x38;
	[tilespmem:$0x1C200] =	vst v63  }
0x3a: {  	_ =	swait.ge [sflag:s28], $0x4000  }
0x3b: {  	[sflag:s28] =	ssyncset.done $0x0  }
0x3c: {  	[sflag:s28] =	ssyncadd.s32 $0xFFFFC000  }
0x3d: {  	_ =	swait.ge [sflag:s29], $0x80  }
0x3e: {  	[sflag:s29] =	ssyncset.done $0x0  }
0x3f: {  	[sflag:s29] =	ssyncadd.s32 $0xFFFFFF80  }
0x40: {  	_ =	swait.ge [sflag:s29], $0x80  }
0x41: {  	[sflag:s29] =	ssyncset.done $0x0  }
0x42: {  	[sflag:s29] =	ssyncadd.s32 $0xFFFFFF80  }
0x43: {  	[tilespmem:s22], [sflag:$0x1] =	stream.indirect.gather [hbm4b:s4+s21], $0x80, s19, s21, $0xb8;
	[tilespmem:$0x1C200] =	vst v63  }
0x44: {  	_ = 	snop  }
0x45: {  	[spmem:s2] =	stream.indirect.scatter.add.f32 [tilespmem:s26], [sflag:$0x4], $0x80, s24, s21, $0xb8;
	[tilespmem:$0x1C200] =	vst v63  }
0x46: {  	_ =	swait.ge [sflag:s18], $0x4000  }
0x47: {  	[sflag:s18] =	ssyncset.done $0x0  }
0x48: {  	s31 =	sadd.s32 $0x0, s14;
	[sflag:s18] =	ssyncadd.s32 $0xFFFFC000  }
0x49: {  	[tilespmem:s23], [sflag:$0x3] =	stream.linear.gather [hbm4b:s31+s3], $0x80, $0x38;
	[tilespmem:$0x1C200] =	vst v63  }
0x4a: {  	s31 =	sadd.s32 $0x0, s13  }
0x4b: {  	[tilespmem:s24], [sflag:$0x3] =	stream.linear.gather [hbm4b:s31+s3], $0x80, $0x38;
	[tilespmem:$0x1C200] =	vst v63  }
0x4c: {  	_ =	swait.ge [sflag:s25], $0x4000  }
0x4d: {  	[sflag:s25] =	ssyncset.done $0x0  }
0x4e: {  	[sflag:s25] =	ssyncadd.s32 $0xFFFFC000  }
0x4f: {  	_ =	swait.ge [sflag:s29], $0x80  }
0x50: {  	[sflag:s29] =	ssyncset.done $0x0  }
0x51: {  	[sflag:s29] =	ssyncadd.s32 $0xFFFFFF80  }
0x52: {  	_ =	swait.ge [sflag:s29], $0x80  }
0x53: {  	s31 =	simm.s32 $0x20;
	[sflag:s29] =	ssyncset.done $0x0  }
.LBB2_2:
0x54: {  	p0 =	sne.s32 s31, $0x4C0  }
0x55: {  	[sflag:s29] =	ssyncadd.s32 $0xFFFFFF80;
	s0 =	smov.u32 s31;
	s31 =	sadd.s32 $0x20, s31  }
0x56: {  	[tilespmem:s26], [sflag:$0x2] =	stream.indirect.gather [hbm4b:s4+s21], $0x80, s23, s21, $0xb8;
	[tilespmem:$0x1C200] =	vst v63  }
0x57: {  	_ = 	snop  }
0x58: {  	[spmem:s2] =	stream.indirect.scatter.add.f32 [tilespmem:s22], [sflag:$0x4], $0x80, s20, s21, $0xb8;
	[tilespmem:$0x1C200] =	vst v63  }
0x59: {  	_ =	swait.ge [sflag:s18], $0x4000  }
0x5a: {  	[sflag:s18] =	ssyncset.done $0x0  }
0x5b: {  	s1 =	sadd.s32 s0, s16;
	[sflag:s18] =	ssyncadd.s32 $0xFFFFC000  }
0x5c: {  	[tilespmem:s19], [sflag:$0x3] =	stream.linear.gather [hbm4b:s1+s3], $0x80, $0x38;
	[tilespmem:$0x1C200] =	vst v63  }
0x5d: {  	s1 =	sadd.s32 s0, s15  }
0x5e: {  	[tilespmem:s20], [sflag:$0x3] =	stream.linear.gather [hbm4b:s1+s3], $0x80, $0x38;
	[tilespmem:$0x1C200] =	vst v63  }
0x5f: {  	_ =	swait.ge [sflag:s28], $0x4000  }
0x60: {  	[sflag:s28] =	ssyncset.done $0x0  }
0x61: {  	[sflag:s28] =	ssyncadd.s32 $0xFFFFC000  }
0x62: {  	_ =	swait.ge [sflag:s29], $0x80  }
0x63: {  	[sflag:s29] =	ssyncset.done $0x0  }
0x64: {  	[sflag:s29] =	ssyncadd.s32 $0xFFFFFF80  }
0x65: {  	_ =	swait.ge [sflag:s29], $0x80  }
0x66: {  	[sflag:s29] =	ssyncset.done $0x0  }
0x67: {  	[sflag:s29] =	ssyncadd.s32 $0xFFFFFF80  }
0x68: {  	[tilespmem:s22], [sflag:$0x1] =	stream.indirect.gather [hbm4b:s4+s21], $0x80, s19, s21, $0xb8;
	[tilespmem:$0x1C200] =	vst v63  }
0x69: {  	_ = 	snop  }
0x6a: {  	[spmem:s2] =	stream.indirect.scatter.add.f32 [tilespmem:s26], [sflag:$0x4], $0x80, s24, s21, $0xb8;
	[tilespmem:$0x1C200] =	vst v63  }
0x6b: {  	_ =	swait.ge [sflag:s18], $0x4000  }
0x6c: {  	[sflag:s18] =	ssyncset.done $0x0  }
0x6d: {  	s1 =	sadd.s32 s0, s14;
	[sflag:s18] =	ssyncadd.s32 $0xFFFFC000  }
0x6e: {  	[tilespmem:s23], [sflag:$0x3] =	stream.linear.gather [hbm4b:s1+s3], $0x80, $0x38;
	[tilespmem:$0x1C200] =	vst v63  }
0x6f: {  	s0 =	sadd.s32 s0, s13  }
0x70: {  	[tilespmem:s24], [sflag:$0x3] =	stream.linear.gather [hbm4b:s0+s3], $0x80, $0x38;
	[tilespmem:$0x1C200] =	vst v63  }
0x71: {  	_ =	swait.ge [sflag:s25], $0x4000  }
0x72: {  	[sflag:s25] =	ssyncset.done $0x0  }
0x73: {  	[sflag:s25] =	ssyncadd.s32 $0xFFFFC000  }
.Ltmp0:
0x74: {  	_ =	swait.ge [sflag:s29], $0x80;
	(pc) =	sbr.rel @p0 .LBB2_2-.Ltmp0, $4  }
0x75: {  	[sflag:s29] =	ssyncset.done $0x0  }
0x76: {  	[sflag:s29] =	ssyncadd.s32 $0xFFFFFF80  }
0x77: {  	_ =	swait.ge [sflag:s29], $0x80  }
0x78: {  	[sflag:s29] =	ssyncset.done $0x0  }
0x79: {  	[sflag:s29] =	ssyncadd.s32 $0xFFFFFF80  }
0x7a: {  	[tilespmem:s26], [sflag:$0x2] =	stream.indirect.gather [hbm4b:s4+s21], $0x80, s23, s21, $0xb8;
	[tilespmem:$0x1C200] =	vst v63  }
0x7b: {  	_ = 	snop  }
0x7c: {  	[spmem:s2] =	stream.indirect.scatter.add.f32 [tilespmem:s22], [sflag:$0x4], $0x80, s20, s21, $0xb8;
	[tilespmem:$0x1C200] =	vst v63  }
0x7d: {  	_ =	swait.ge [sflag:s18], $0x4000  }
0x7e: {  	[sflag:s18] =	ssyncset.done $0x0  }
0x7f: {  	[sflag:s18] =	ssyncadd.s32 $0xFFFFC000  }
0x80: {  	_ =	swait.ge [sflag:s28], $0x4000  }
0x81: {  	[sflag:s28] =	ssyncset.done $0x0  }
0x82: {  	[sflag:s28] =	ssyncadd.s32 $0xFFFFC000  }
0x83: {  	[spmem:s2] =	stream.indirect.scatter.add.f32 [tilespmem:s26], [sflag:$0x4], $0x80, s24, s21, $0xb8;
	[tilespmem:$0x1C200] =	vst v63  }
0x84: {  	_ =	swait.ge [sflag:s18], $0x4000  }
0x85: {  	s30 =	sadd.s32 $0x1, s30;
	[sflag:s18] =	ssyncset.done $0x0  }
0x86: {  	p0 =	sne.s32 s30, s12;
	[sflag:s18] =	ssyncadd.s32 $0xFFFFC000  }
.Ltmp1:
0x87: {  	[bflag:$0x0] =	sbarrier.arrive $0xFFFF;
	(pc) =	sbr.rel @p0 .LBB2_1-.Ltmp1, $4  }
0x88: {  	[hbm:s11], [sflag:s6] =	dma.local [spmem:s17], $0x2800  }
0x89: {  	_ =	swait.ge [sflag:s18], $0x2800  }
0x8a: {  	[sflag:s18] =	ssyncset.done $0x0  }
0x8b: {  	[sflag:s18] =	ssyncadd.s32 $0xFFFFD800  }
0x8c: {  	_ =	sfence.sel $0x180000  }
0x8d: {  	[bflag:$0x0] =	sbarrier.arrive $0xFFFF  }
0x8e: {  	_ =	strace $0x90000050  }
0x8f: {  	s0 =	stileid.u32;
	[bflag:$0x2] =	sbarrier.arrive $0xFFFF  }
0x90: {  	p0 =	sne.s32 s0, $0x0;
	s0 =	rddreg [dreg:$0x2]  }
0x91: {  	s0 =	sadd.s32 @!p0 $0x100000, s0  }
0x92: {  	[sflag:s0] =	ssyncadd.tile.s32 @!p0 $0x1;
	_ =	shalt  }
.Lfunc_end2:
_tile_overlayer_lowered:
.L_overlay_start_2:
0x93: {  	(tag) =	ssettag $0x2  }
0x94: {  	s0 =	rddreg [dreg:$0x0];
	s2 =	stileid.u32  }
0x95: {  	s1 =	rddreg [dreg:$0x1];
	p0 =	sne.s32 s2, $0x0  }
0x96: {  	s3 =	rddreg [dreg:$0x2];
	[bflag:$0x3] =	sbarrier.arrive $0xFFFF;
	s2 =	simm.s32 @!p0 $0x1C04  }
0x97: {  	[timem:s3], [sflag:s2] =	dma.local @!p0 [hbm:s0], s1  }
0x98: {  	s0 =	simm.s32 @!p0 $0x4  }
0x99: {  	_ =	swait.ge @!p0 [sflag:s0], s1  }
0x9a: {  	s1 =	ssub.s32 @!p0 $0x0, s1;
	[sflag:s0] =	ssyncset.done @!p0 $0x0  }
0x9b: {  	[sflag:s0] =	ssyncadd.s32 @!p0 s1  }
0x9c: {  	[bflag:$0x3] =	sbarrier.arrive $0xFFFF  }
0x9d: {  	_ =	shalt  }

</sc_bundles>
